<compile_context>
chip_gen: v7x
topology: tpu7x:2x2x1
jax: 0.10.2.dev20260603
libtpu: 0.0.44.dev20260713+nightly
codegen_flags: <defaults>
</compile_context>

<pallas_src>
import functools

import jax
import jax.numpy as jnp
from jax import lax
from jax.experimental import pallas as pl
from jax.experimental.pallas import tpu as pltpu
from jax.experimental.pallas import tpu_sc as plsc

_MOMENTUM = 0.9

_B = 16384
_C = 128
_TC_BLK = 2048

_NC = 2
_NS = 16
_NW = _NC * _NS
_BPW = _B // _NW
_SUB = 128
_NSUB = _BPW // _SUB


def _sc_dot_body(sl_hbm, x_hbm, idx_hbm, out_hbm,
                 idx_v, xb, gb, acc_v, sem0, sem1):
    wid = lax.axis_index("s") * _NC + lax.axis_index("c")
    base = wid * _BPW
    pltpu.sync_copy(idx_hbm.at[pl.ds(base, _BPW)], idx_v)
    sems = (sem0, sem1)

    def fire(c):
        slot = c & 1
        hx = pltpu.async_copy(
            x_hbm.at[pl.ds(base + c * _SUB, _SUB)], xb.at[slot], sems[slot])
        hg = pltpu.async_copy(
            sl_hbm.at[idx_v.at[pl.ds(c * _SUB, _SUB)]], gb.at[slot], sems[slot])
        return hx, hg

    handles = [fire(0)]
    acc = jnp.zeros((16,), jnp.float32)
    for c in range(_NSUB):
        slot = c & 1
        if c + 1 < _NSUB:
            handles.append(fire(c + 1))
        hx, hg = handles[c]
        hx.wait()
        hg.wait()

        def row(r, a):
            for v in range(_C // 16):
                a = a + (xb[slot, r, pl.ds(v * 16, 16)]
                         * gb[slot, r, pl.ds(v * 16, 16)])
            return a

        acc = lax.fori_loop(0, _SUB, row, acc)
    acc_v[...] = acc
    pltpu.sync_copy(acc_v, out_hbm.at[wid])


@functools.partial(
    pl.kernel,
    out_type=jax.ShapeDtypeStruct((_NW, 16), jnp.float32),
    mesh=plsc.VectorSubcoreMesh(core_axis_name="c", subcore_axis_name="s"),
    scratch_types=[
        pltpu.VMEM((_BPW,), jnp.int32),
        pltpu.VMEM((2, _SUB, _C), jnp.float32),
        pltpu.VMEM((2, _SUB, _C), jnp.float32),
        pltpu.VMEM((16,), jnp.float32),
        pltpu.SemaphoreType.DMA,
        pltpu.SemaphoreType.DMA,
    ],
)
def _sc_dot(sl_hbm, x_hbm, idx_hbm, out_hbm, idx_v, xb, gb, acc_v, sem0, sem1):
    _sc_dot_body(sl_hbm, x_hbm, idx_hbm, out_hbm,
                 idx_v, xb, gb, acc_v, sem0, sem1)


def _tc_stats_body(x_ref, t_ref, csum_ref):
    i = pl.program_id(0)
    x = x_ref[...]
    e = jnp.exp(x)
    ones = jnp.ones((_C, 1), jnp.float32)
    dn = (((1,), (0,)), ((), ()))
    s = lax.dot_general(e, ones, dn, preferred_element_type=jnp.float32)
    u = lax.dot_general(x * e, ones, dn, preferred_element_type=jnp.float32)
    c = jnp.log(s)
    c_blk = jnp.sum(c)
    t_blk = jnp.sum(u * (1.0 / s)) - c_blk

    @pl.when(i == 0)
    def _():
        t_ref[0, 0] = 0.0
        csum_ref[0, 0] = 0.0

    t_ref[0, 0] += t_blk
    csum_ref[0, 0] += c_blk


def _tc_stats(logits):
    return pl.pallas_call(
        _tc_stats_body,
        grid=(_B // _TC_BLK,),
        in_specs=[pl.BlockSpec((_TC_BLK, _C), lambda i: (i, 0))],
        out_specs=[
            pl.BlockSpec((1, 1), lambda i: (0, 0), memory_space=pltpu.SMEM),
            pl.BlockSpec((1, 1), lambda i: (0, 0), memory_space=pltpu.SMEM),
        ],
        out_shape=[
            jax.ShapeDtypeStruct((1, 1), jnp.float32),
            jax.ShapeDtypeStruct((1, 1), jnp.float32),
        ],
        compiler_params=pltpu.CompilerParams(
            dimension_semantics=("arbitrary",),
        ),
    )(logits)


def _tc_combine_body(p_ref, t_ref, csum_ref, o_ref):
    g = jnp.sum(p_ref[...])
    o_ref[0, 0] = -(_MOMENTUM * (g - csum_ref[0, 0])
                    + (1.0 - _MOMENTUM) * t_ref[0, 0]) / _B


def _tc_combine(partials, t_acc, csum):
    return pl.pallas_call(
        _tc_combine_body,
        in_specs=[
            pl.BlockSpec(memory_space=pltpu.VMEM),
            pl.BlockSpec(memory_space=pltpu.SMEM),
            pl.BlockSpec(memory_space=pltpu.SMEM),
        ],
        out_specs=pl.BlockSpec(memory_space=pltpu.SMEM),
        out_shape=jax.ShapeDtypeStruct((1, 1), jnp.float32),
    )(partials, t_acc, csum)


def kernel(logits, labels, soft_labels, index, epoch):
    del labels, epoch
    partials = _sc_dot(soft_labels, logits, index.astype(jnp.int32))
    t_acc, csum = _tc_stats(logits)
    out = _tc_combine(partials, t_acc, csum)
    return out[0, 0]

# --- scband reference (transcript-rebuilt; emitter-appended) ---
"""Pipeline reference for scband-selcloss-86157043958326 (READ-ONLY COPY).

The authoritative reference and input builder live on the scoring server;
editing this copy changes nothing except your own understanding.
"""

import jax, jax.numpy as jnp
import numpy as np

N = 100000      # dataset size (len(labels))
B = 16384       # batch
C = 128         # num_classes
MOMENTUM = 0.9
ES = 10


def setup_inputs(seed: int = 0) -> dict:
    key = jax.random.key(seed)
    k1, k2, k3, k4 = jax.random.split(key, 4)
    logits = jax.random.normal(k1, (B, C), dtype=jnp.float32)
    # one-hot-ish soft target arg (unused on the train/epoch>es path, kept for signature fidelity)
    labels = jax.random.uniform(k2, (B, C), dtype=jnp.float32)
    index = jax.random.randint(k3, (B,), 0, N)
    # module state: soft_labels initialized as one-hot of the dataset labels (constructor)
    init_labels = jax.random.randint(k4, (N,), 0, C)
    soft_labels = jax.nn.one_hot(init_labels, C, dtype=jnp.float32)
    epoch = 11  # > es -> SELC branch
    return {"logits": logits, "labels": labels, "soft_labels": soft_labels, "index": index, "epoch": epoch}


def reference(logits, labels, soft_labels, index, epoch):
    # mode == 'train' and epoch > es branch of SELCLoss.forward
    pred = jax.nn.softmax(logits, axis=1)
    pred_detach = jax.nn.softmax(jax.lax.stop_gradient(logits), axis=1)
    # gather current soft labels for the batch, EMA update, scatter back (memory write)
    gathered = jnp.take(soft_labels, index, axis=0)
    updated = MOMENTUM * gathered + (1.0 - MOMENTUM) * pred_detach
    new_soft_labels = soft_labels.at[index].set(updated)
    # re-gather the updated rows (matches torch reading self.soft_labels[index] after write)
    selc_loss = -jnp.sum(jnp.log(pred) * jnp.take(new_soft_labels, index, axis=0), axis=1)
    return jnp.mean(selc_loss)

if __name__ == "__main__":
    import jax
    _d = setup_inputs()
    print(jax.jit(kernel)(*tuple(_d.values())))

</pallas_src>

<mosaic_0001>
#map = affine_map<(d0, d1) -> (0, 0)>
#map1 = affine_map<(d0, d1) -> (0)>
module attributes {stable_mosaic.version = 14 : i64} {
  func.func @_sc_dot(%arg0: i32, %arg1: i32, %arg2: memref<100000x128xf32, #tpu.memory_space<hbm>>, %arg3: memref<16384x128xf32, #tpu.memory_space<hbm>>, %arg4: memref<16384xi32, #tpu.memory_space<hbm>>, %arg5: memref<32x16xf32, #tpu.memory_space<hbm>>, %arg6: memref<512xi32, #tpu.memory_space<vmem>>, %arg7: memref<2x128x128xf32, #tpu.memory_space<vmem>>, %arg8: memref<2x128x128xf32, #tpu.memory_space<vmem>>, %arg9: memref<16xf32, #tpu.memory_space<vmem>>, %arg10: memref<!tpu.dma_semaphore, #tpu.memory_space<semaphore_mem>>, %arg11: memref<!tpu.dma_semaphore, #tpu.memory_space<semaphore_mem>>) attributes {dimension_semantics = [#tpu.dimension_semantics<core_parallel>, #tpu.dimension_semantics<subcore_parallel>], iteration_bounds = array<i64: 2, 16>, scalar_prefetch = 0 : i64, scratch_operands = 6 : i64, tpu.core_type = #tpu.core_type<sc_vector_subcore>, window_params = [{transform_indices = #map}, {transform_indices = #map}, {transform_indices = #map1}, {transform_indices = #map}]} {
    %mul3A = arith.constant 2 : i32
    %mul3A_0 = arith.muli %arg1, %mul3A : i32
    %add3A = arith.addi %mul3A_0, %arg0 : i32
    %mul3A_1 = arith.constant 512 : i32
    %mul3A_2 = arith.muli %add3A, %mul3A_1 : i32
    "tpu.region"() ({
      %run_scoped3A = tpu.sem_alloc : memref<!tpu.dma_semaphore, #tpu.memory_space<semaphore_mem>>
      %dma_start3A_220 = tpu.memref_slice %arg4[%mul3A_2] : memref<16384xi32, #tpu.memory_space<hbm>> -> memref<512xi32, #tpu.memory_space<hbm>>
      %dma_start3A_221 = tpu.memref_slice %arg4[%mul3A_2] : memref<16384xi32, #tpu.memory_space<hbm>> -> memref<512xi32, #tpu.memory_space<hbm>>
      tpu.enqueue_dma source(%dma_start3A_221 : memref<512xi32, #tpu.memory_space<hbm>>) target(%arg6 : memref<512xi32, #tpu.memory_space<vmem>>) target_semaphore(%run_scoped3A : memref<!tpu.dma_semaphore, #tpu.memory_space<semaphore_mem>>)
      %dma_wait3A_222 = tpu.memref_slice %arg4[%mul3A_2] : memref<16384xi32, #tpu.memory_space<hbm>> -> memref<512xi32, #tpu.memory_space<hbm>>
      %dma_wait3A_223 = tpu.memref_slice %arg4[%mul3A_2] : memref<16384xi32, #tpu.memory_space<hbm>> -> memref<512xi32, #tpu.memory_space<hbm>>
      tpu.wait_dma2 semaphore(%run_scoped3A : memref<!tpu.dma_semaphore, #tpu.memory_space<semaphore_mem>>) src(%dma_wait3A_223 : memref<512xi32, #tpu.memory_space<hbm>>) dst(%arg6 : memref<512xi32, #tpu.memory_space<vmem>>)
      tpu.yield
    }) : () -> ()
    %add3A_3 = arith.constant 0 : i32
    %add3A_4 = arith.addi %mul3A_2, %add3A_3 : i32
    %dma_start3A = arith.constant 0 : i32
    %dma_start3A_5 = arith.constant 0 : i32
    %dma_start3A_6 = arith.constant 0 : i32
    %dma_start3A_7 = tpu.memref_slice %arg7[%dma_start3A, %dma_start3A_5, %dma_start3A_6] : memref<2x128x128xf32, #tpu.memory_space<vmem>> -> memref<1x128x128xf32, #tpu.memory_space<vmem>>
    %dma_start3A_8 = tpu.memref_squeeze %dma_start3A_7 : memref<1x128x128xf32, #tpu.memory_space<vmem>> -> memref<128x128xf32, #tpu.memory_space<vmem>>
    %dma_start3A_9 = arith.constant 0 : i32
    %dma_start3A_10 = tpu.memref_slice %arg3[%add3A_4, %dma_start3A_9] : memref<16384x128xf32, #tpu.memory_space<hbm>> -> memref<128x128xf32, #tpu.memory_space<hbm>>
    %dma_start3A_11 = arith.constant 0 : i32
    %dma_start3A_12 = arith.constant 0 : i32
    %dma_start3A_13 = tpu.memref_slice %arg7[%dma_start3A, %dma_start3A_11, %dma_start3A_12] : memref<2x128x128xf32, #tpu.memory_space<vmem>> -> memref<1x128x128xf32, #tpu.memory_space<vmem>>
    %dma_start3A_14 = tpu.memref_squeeze %dma_start3A_13 : memref<1x128x128xf32, #tpu.memory_space<vmem>> -> memref<128x128xf32, #tpu.memory_space<vmem>>
    %dma_start3A_15 = arith.constant 0 : i32
    %dma_start3A_16 = tpu.memref_slice %arg3[%add3A_4, %dma_start3A_15] : memref<16384x128xf32, #tpu.memory_space<hbm>> -> memref<128x128xf32, #tpu.memory_space<hbm>>
    tpu.enqueue_dma source(%dma_start3A_16 : memref<128x128xf32, #tpu.memory_space<hbm>>) target(%dma_start3A_14 : memref<128x128xf32, #tpu.memory_space<vmem>>) target_semaphore(%arg10 : memref<!tpu.dma_semaphore, #tpu.memory_space<semaphore_mem>>)
    %dma_start3A_17 = arith.constant 0 : i32
    %dma_start3A_18 = arith.constant 0 : i32
    %dma_start3A_19 = arith.constant 0 : i32
    %dma_start3A_20 = tpu.memref_slice %arg8[%dma_start3A_17, %dma_start3A_18, %dma_start3A_19] : memref<2x128x128xf32, #tpu.memory_space<vmem>> -> memref<1x128x128xf32, #tpu.memory_space<vmem>>
    %dma_start3A_21 = tpu.memref_squeeze %dma_start3A_20 : memref<1x128x128xf32, #tpu.memory_space<vmem>> -> memref<128x128xf32, #tpu.memory_space<vmem>>
    %dma_start3A_22 = arith.constant 0 : i32
    %dma_start3A_23 = tpu.memref_slice %arg6[%dma_start3A_22] : memref<512xi32, #tpu.memory_space<vmem>> -> memref<128xi32, #tpu.memory_space<vmem>>
    %dma_start3A_24 = arith.constant 0 : i32
    %dma_start3A_25 = arith.constant 0 : i32
    %dma_start3A_26 = tpu.memref_slice %arg2[%dma_start3A_24, %dma_start3A_25] : memref<100000x128xf32, #tpu.memory_space<hbm>> -> memref<100000x128xf32, #tpu.memory_space<hbm>>
    tpu.enqueue_indirect_dma source(%dma_start3A_26 : memref<100000x128xf32, #tpu.memory_space<hbm>>) target(%dma_start3A_21 : memref<128x128xf32, #tpu.memory_space<vmem>>) offsets(%dma_start3A_23 : memref<128xi32, #tpu.memory_space<vmem>>) semaphore(%arg10 : memref<!tpu.dma_semaphore, #tpu.memory_space<semaphore_mem>>)
    %broadcast_in_dim3A = arith.constant 0.000000e+00 : f32
    %broadcast_in_dim3A_27 = vector.broadcast %broadcast_in_dim3A : f32 to vector<16xf32>
    %add3A_28 = arith.constant 128 : i32
    %add3A_29 = arith.addi %mul3A_2, %add3A_28 : i32
    %dma_start3A_30 = arith.constant 1 : i32
    %dma_start3A_31 = arith.constant 0 : i32
    %dma_start3A_32 = arith.constant 0 : i32
    %dma_start3A_33 = tpu.memref_slice %arg7[%dma_start3A_30, %dma_start3A_31, %dma_start3A_32] : memref<2x128x128xf32, #tpu.memory_space<vmem>> -> memref<1x128x128xf32, #tpu.memory_space<vmem>>
    %dma_start3A_34 = tpu.memref_squeeze %dma_start3A_33 : memref<1x128x128xf32, #tpu.memory_space<vmem>> -> memref<128x128xf32, #tpu.memory_space<vmem>>
    %dma_start3A_35 = arith.constant 0 : i32
    %dma_start3A_36 = tpu.memref_slice %arg3[%add3A_29, %dma_start3A_35] : memref<16384x128xf32, #tpu.memory_space<hbm>> -> memref<128x128xf32, #tpu.memory_space<hbm>>
    %dma_start3A_37 = arith.constant 0 : i32
    %dma_start3A_38 = arith.constant 0 : i32
    %dma_start3A_39 = tpu.memref_slice %arg7[%dma_start3A_30, %dma_start3A_37, %dma_start3A_38] : memref<2x128x128xf32, #tpu.memory_space<vmem>> -> memref<1x128x128xf32, #tpu.memory_space<vmem>>
    %dma_start3A_40 = tpu.memref_squeeze %dma_start3A_39 : memref<1x128x128xf32, #tpu.memory_space<vmem>> -> memref<128x128xf32, #tpu.memory_space<vmem>>
    %dma_start3A_41 = arith.constant 0 : i32
    %dma_start3A_42 = tpu.memref_slice %arg3[%add3A_29, %dma_start3A_41] : memref<16384x128xf32, #tpu.memory_space<hbm>> -> memref<128x128xf32, #tpu.memory_space<hbm>>
    tpu.enqueue_dma source(%dma_start3A_42 : memref<128x128xf32, #tpu.memory_space<hbm>>) target(%dma_start3A_40 : memref<128x128xf32, #tpu.memory_space<vmem>>) target_semaphore(%arg11 : memref<!tpu.dma_semaphore, #tpu.memory_space<semaphore_mem>>)
    %dma_start3A_43 = arith.constant 1 : i32
    %dma_start3A_44 = arith.constant 0 : i32
    %dma_start3A_45 = arith.constant 0 : i32
    %dma_start3A_46 = tpu.memref_slice %arg8[%dma_start3A_43, %dma_start3A_44, %dma_start3A_45] : memref<2x128x128xf32, #tpu.memory_space<vmem>> -> memref<1x128x128xf32, #tpu.memory_space<vmem>>
    %dma_start3A_47 = tpu.memref_squeeze %dma_start3A_46 : memref<1x128x128xf32, #tpu.memory_space<vmem>> -> memref<128x128xf32, #tpu.memory_space<vmem>>
    %dma_start3A_48 = arith.constant 128 : i32
    %dma_start3A_49 = tpu.memref_slice %arg6[%dma_start3A_48] : memref<512xi32, #tpu.memory_space<vmem>> -> memref<128xi32, #tpu.memory_space<vmem>>
    %dma_start3A_50 = arith.constant 0 : i32
    %dma_start3A_51 = arith.constant 0 : i32
    %dma_start3A_52 = tpu.memref_slice %arg2[%dma_start3A_50, %dma_start3A_51] : memref<100000x128xf32, #tpu.memory_space<hbm>> -> memref<100000x128xf32, #tpu.memory_space<hbm>>
    tpu.enqueue_indirect_dma source(%dma_start3A_52 : memref<100000x128xf32, #tpu.memory_space<hbm>>) target(%dma_start3A_47 : memref<128x128xf32, #tpu.memory_space<vmem>>) offsets(%dma_start3A_49 : memref<128xi32, #tpu.memory_space<vmem>>) semaphore(%arg11 : memref<!tpu.dma_semaphore, #tpu.memory_space<semaphore_mem>>)
    %dma_wait3A = arith.constant 0 : i32
    %dma_wait3A_53 = arith.constant 0 : i32
    %dma_wait3A_54 = arith.constant 0 : i32
    %dma_wait3A_55 = tpu.memref_slice %arg7[%dma_wait3A, %dma_wait3A_53, %dma_wait3A_54] : memref<2x128x128xf32, #tpu.memory_space<vmem>> -> memref<1x128x128xf32, #tpu.memory_space<vmem>>
    %dma_wait3A_56 = tpu.memref_squeeze %dma_wait3A_55 : memref<1x128x128xf32, #tpu.memory_space<vmem>> -> memref<128x128xf32, #tpu.memory_space<vmem>>
    %dma_wait3A_57 = arith.constant 0 : i32
    %dma_wait3A_58 = tpu.memref_slice %arg3[%add3A_4, %dma_wait3A_57] : memref<16384x128xf32, #tpu.memory_space<hbm>> -> memref<128x128xf32, #tpu.memory_space<hbm>>
    %dma_wait3A_59 = arith.constant 0 : i32
    %dma_wait3A_60 = arith.constant 0 : i32
    %dma_wait3A_61 = tpu.memref_slice %arg7[%dma_wait3A, %dma_wait3A_59, %dma_wait3A_60] : memref<2x128x128xf32, #tpu.memory_space<vmem>> -> memref<1x128x128xf32, #tpu.memory_space<vmem>>
    %dma_wait3A_62 = tpu.memref_squeeze %dma_wait3A_61 : memref<1x128x128xf32, #tpu.memory_space<vmem>> -> memref<128x128xf32, #tpu.memory_space<vmem>>
    %dma_wait3A_63 = arith.constant 0 : i32
    %dma_wait3A_64 = tpu.memref_slice %arg3[%add3A_4, %dma_wait3A_63] : memref<16384x128xf32, #tpu.memory_space<hbm>> -> memref<128x128xf32, #tpu.memory_space<hbm>>
    tpu.wait_dma2 semaphore(%arg10 : memref<!tpu.dma_semaphore, #tpu.memory_space<semaphore_mem>>) src(%dma_wait3A_64 : memref<128x128xf32, #tpu.memory_space<hbm>>) dst(%dma_wait3A_62 : memref<128x128xf32, #tpu.memory_space<vmem>>)
    %dma_wait3A_65 = arith.constant 0 : i32
    %dma_wait3A_66 = arith.constant 0 : i32
    %dma_wait3A_67 = arith.constant 0 : i32
    %dma_wait3A_68 = tpu.memref_slice %arg8[%dma_wait3A_65, %dma_wait3A_66, %dma_wait3A_67] : memref<2x128x128xf32, #tpu.memory_space<vmem>> -> memref<1x128x128xf32, #tpu.memory_space<vmem>>
    %dma_wait3A_69 = tpu.memref_squeeze %dma_wait3A_68 : memref<1x128x128xf32, #tpu.memory_space<vmem>> -> memref<128x128xf32, #tpu.memory_space<vmem>>
    %dma_wait3A_70 = arith.constant 0 : i32
    %dma_wait3A_71 = tpu.memref_slice %arg6[%dma_wait3A_70] : memref<512xi32, #tpu.memory_space<vmem>> -> memref<128xi32, #tpu.memory_space<vmem>>
    %dma_wait3A_72 = arith.constant 0 : i32
    %dma_wait3A_73 = arith.constant 0 : i32
    %dma_wait3A_74 = tpu.memref_slice %arg2[%dma_wait3A_72, %dma_wait3A_73] : memref<100000x128xf32, #tpu.memory_space<hbm>> -> memref<100000x128xf32, #tpu.memory_space<hbm>>
    tpu.wait_indirect_dma semaphore(%arg10 : memref<!tpu.dma_semaphore, #tpu.memory_space<semaphore_mem>>) src(%dma_wait3A_74 : memref<100000x128xf32, #tpu.memory_space<hbm>>) dst(%dma_wait3A_69 : memref<128x128xf32, #tpu.memory_space<vmem>>)
    %scan3A = arith.constant 0 : i32
    %scan3A_75 = arith.constant 128 : i32
    %scan3A_76 = arith.addi %scan3A, %scan3A_75 : i32
    %scan3A_77 = arith.constant 1 : i32
    %scan3A_78 = scf.for %scan3A_220 = %scan3A to %scan3A_76 step %scan3A_77 iter_args(%scan3A_221 = %broadcast_in_dim3A_27) -> (vector<16xf32>)  : i32 {
      %get3A = arith.constant 0 : i32
      %get3A_222 = arith.index_cast %get3A : i32 to index
      %get3A_223 = arith.index_cast %scan3A_220 : i32 to index
      %get3A_224 = arith.constant 0 : index
      %get3A_225 = tpu.vector_load %arg7[%get3A_222, %get3A_223, %get3A_224] {strides = array<i32>} : memref<2x128x128xf32, #tpu.memory_space<vmem>>, vector<1x1x16xf32>,
      %get3A_226 = vector.shape_cast %get3A_225 : vector<1x1x16xf32> to vector<16xf32>
      %get3A_227 = arith.constant 0 : i32
      %get3A_228 = arith.index_cast %get3A_227 : i32 to index
      %get3A_229 = arith.index_cast %scan3A_220 : i32 to index
      %get3A_230 = arith.constant 0 : index
      %get3A_231 = tpu.vector_load %arg8[%get3A_228, %get3A_229, %get3A_230] {strides = array<i32>} : memref<2x128x128xf32, #tpu.memory_space<vmem>>, vector<1x1x16xf32>,
      %get3A_232 = vector.shape_cast %get3A_231 : vector<1x1x16xf32> to vector<16xf32>
      %mul3A_233 = arith.mulf %get3A_226, %get3A_232 : vector<16xf32>
      %add3A_234 = arith.addf %scan3A_221, %mul3A_233 : vector<16xf32>
      %get3A_235 = arith.constant 0 : i32
      %get3A_236 = arith.index_cast %get3A_235 : i32 to index
      %get3A_237 = arith.index_cast %scan3A_220 : i32 to index
      %get3A_238 = arith.constant 16 : index
      %get3A_239 = tpu.vector_load %arg7[%get3A_236, %get3A_237, %get3A_238] {strides = array<i32>} : memref<2x128x128xf32, #tpu.memory_space<vmem>>, vector<1x1x16xf32>,
      %get3A_240 = vector.shape_cast %get3A_239 : vector<1x1x16xf32> to vector<16xf32>
      %get3A_241 = arith.constant 0 : i32
      %get3A_242 = arith.index_cast %get3A_241 : i32 to index
      %get3A_243 = arith.index_cast %scan3A_220 : i32 to index
      %get3A_244 = arith.constant 16 : index
      %get3A_245 = tpu.vector_load %arg8[%get3A_242, %get3A_243, %get3A_244] {strides = array<i32>} : memref<2x128x128xf32, #tpu.memory_space<vmem>>, vector<1x1x16xf32>,
      %get3A_246 = vector.shape_cast %get3A_245 : vector<1x1x16xf32> to vector<16xf32>
      %mul3A_247 = arith.mulf %get3A_240, %get3A_246 : vector<16xf32>
      %add3A_248 = arith.addf %add3A_234, %mul3A_247 : vector<16xf32>
      %get3A_249 = arith.constant 0 : i32
      %get3A_250 = arith.index_cast %get3A_249 : i32 to index
      %get3A_251 = arith.index_cast %scan3A_220 : i32 to index
      %get3A_252 = arith.constant 32 : index
      %get3A_253 = tpu.vector_load %arg7[%get3A_250, %get3A_251, %get3A_252] {strides = array<i32>} : memref<2x128x128xf32, #tpu.memory_space<vmem>>, vector<1x1x16xf32>,
      %get3A_254 = vector.shape_cast %get3A_253 : vector<1x1x16xf32> to vector<16xf32>
      %get3A_255 = arith.constant 0 : i32
      %get3A_256 = arith.index_cast %get3A_255 : i32 to index
      %get3A_257 = arith.index_cast %scan3A_220 : i32 to index
      %get3A_258 = arith.constant 32 : index
      %get3A_259 = tpu.vector_load %arg8[%get3A_256, %get3A_257, %get3A_258] {strides = array<i32>} : memref<2x128x128xf32, #tpu.memory_space<vmem>>, vector<1x1x16xf32>,
      %get3A_260 = vector.shape_cast %get3A_259 : vector<1x1x16xf32> to vector<16xf32>
      %mul3A_261 = arith.mulf %get3A_254, %get3A_260 : vector<16xf32>
      %add3A_262 = arith.addf %add3A_248, %mul3A_261 : vector<16xf32>
      %get3A_263 = arith.constant 0 : i32
      %get3A_264 = arith.index_cast %get3A_263 : i32 to index
      %get3A_265 = arith.index_cast %scan3A_220 : i32 to index
      %get3A_266 = arith.constant 48 : index
      %get3A_267 = tpu.vector_load %arg7[%get3A_264, %get3A_265, %get3A_266] {strides = array<i32>} : memref<2x128x128xf32, #tpu.memory_space<vmem>>, vector<1x1x16xf32>,
      %get3A_268 = vector.shape_cast %get3A_267 : vector<1x1x16xf32> to vector<16xf32>
      %get3A_269 = arith.constant 0 : i32
      %get3A_270 = arith.index_cast %get3A_269 : i32 to index
      %get3A_271 = arith.index_cast %scan3A_220 : i32 to index
      %get3A_272 = arith.constant 48 : index
      %get3A_273 = tpu.vector_load %arg8[%get3A_270, %get3A_271, %get3A_272] {strides = array<i32>} : memref<2x128x128xf32, #tpu.memory_space<vmem>>, vector<1x1x16xf32>,
      %get3A_274 = vector.shape_cast %get3A_273 : vector<1x1x16xf32> to vector<16xf32>
      %mul3A_275 = arith.mulf %get3A_268, %get3A_274 : vector<16xf32>
      %add3A_276 = arith.addf %add3A_262, %mul3A_275 : vector<16xf32>
      %get3A_277 = arith.constant 0 : i32
      %get3A_278 = arith.index_cast %get3A_277 : i32 to index
      %get3A_279 = arith.index_cast %scan3A_220 : i32 to index
      %get3A_280 = arith.constant 64 : index
      %get3A_281 = tpu.vector_load %arg7[%get3A_278, %get3A_279, %get3A_280] {strides = array<i32>} : memref<2x128x128xf32, #tpu.memory_space<vmem>>, vector<1x1x16xf32>,
      %get3A_282 = vector.shape_cast %get3A_281 : vector<1x1x16xf32> to vector<16xf32>
      %get3A_283 = arith.constant 0 : i32
      %get3A_284 = arith.index_cast %get3A_283 : i32 to index
      %get3A_285 = arith.index_cast %scan3A_220 : i32 to index
      %get3A_286 = arith.constant 64 : index
      %get3A_287 = tpu.vector_load %arg8[%get3A_284, %get3A_285, %get3A_286] {strides = array<i32>} : memref<2x128x128xf32, #tpu.memory_space<vmem>>, vector<1x1x16xf32>,
      %get3A_288 = vector.shape_cast %get3A_287 : vector<1x1x16xf32> to vector<16xf32>
      %mul3A_289 = arith.mulf %get3A_282, %get3A_288 : vector<16xf32>
      %add3A_290 = arith.addf %add3A_276, %mul3A_289 : vector<16xf32>
      %get3A_291 = arith.constant 0 : i32
      %get3A_292 = arith.index_cast %get3A_291 : i32 to index
      %get3A_293 = arith.index_cast %scan3A_220 : i32 to index
      %get3A_294 = arith.constant 80 : index
      %get3A_295 = tpu.vector_load %arg7[%get3A_292, %get3A_293, %get3A_294] {strides = array<i32>} : memref<2x128x128xf32, #tpu.memory_space<vmem>>, vector<1x1x16xf32>,
      %get3A_296 = vector.shape_cast %get3A_295 : vector<1x1x16xf32> to vector<16xf32>
      %get3A_297 = arith.constant 0 : i32
      %get3A_298 = arith.index_cast %get3A_297 : i32 to index
      %get3A_299 = arith.index_cast %scan3A_220 : i32 to index
      %get3A_300 = arith.constant 80 : index
      %get3A_301 = tpu.vector_load %arg8[%get3A_298, %get3A_299, %get3A_300] {strides = array<i32>} : memref<2x128x128xf32, #tpu.memory_space<vmem>>, vector<1x1x16xf32>,
      %get3A_302 = vector.shape_cast %get3A_301 : vector<1x1x16xf32> to vector<16xf32>
      %mul3A_303 = arith.mulf %get3A_296, %get3A_302 : vector<16xf32>
      %add3A_304 = arith.addf %add3A_290, %mul3A_303 : vector<16xf32>
      %get3A_305 = arith.constant 0 : i32
      %get3A_306 = arith.index_cast %get3A_305 : i32 to index
      %get3A_307 = arith.index_cast %scan3A_220 : i32 to index
      %get3A_308 = arith.constant 96 : index
      %get3A_309 = tpu.vector_load %arg7[%get3A_306, %get3A_307, %get3A_308] {strides = array<i32>} : memref<2x128x128xf32, #tpu.memory_space<vmem>>, vector<1x1x16xf32>,
      %get3A_310 = vector.shape_cast %get3A_309 : vector<1x1x16xf32> to vector<16xf32>
      %get3A_311 = arith.constant 0 : i32
      %get3A_312 = arith.index_cast %get3A_311 : i32 to index
      %get3A_313 = arith.index_cast %scan3A_220 : i32 to index
      %get3A_314 = arith.constant 96 : index
      %get3A_315 = tpu.vector_load %arg8[%get3A_312, %get3A_313, %get3A_314] {strides = array<i32>} : memref<2x128x128xf32, #tpu.memory_space<vmem>>, vector<1x1x16xf32>,
      %get3A_316 = vector.shape_cast %get3A_315 : vector<1x1x16xf32> to vector<16xf32>
      %mul3A_317 = arith.mulf %get3A_310, %get3A_316 : vector<16xf32>
      %add3A_318 = arith.addf %add3A_304, %mul3A_317 : vector<16xf32>
      %get3A_319 = arith.constant 0 : i32
      %get3A_320 = arith.index_cast %get3A_319 : i32 to index
      %get3A_321 = arith.index_cast %scan3A_220 : i32 to index
      %get3A_322 = arith.constant 112 : index
      %get3A_323 = tpu.vector_load %arg7[%get3A_320, %get3A_321, %get3A_322] {strides = array<i32>} : memref<2x128x128xf32, #tpu.memory_space<vmem>>, vector<1x1x16xf32>,
      %get3A_324 = vector.shape_cast %get3A_323 : vector<1x1x16xf32> to vector<16xf32>
      %get3A_325 = arith.constant 0 : i32
      %get3A_326 = arith.index_cast %get3A_325 : i32 to index
      %get3A_327 = arith.index_cast %scan3A_220 : i32 to index
      %get3A_328 = arith.constant 112 : index
      %get3A_329 = tpu.vector_load %arg8[%get3A_326, %get3A_327, %get3A_328] {strides = array<i32>} : memref<2x128x128xf32, #tpu.memory_space<vmem>>, vector<1x1x16xf32>,
      %get3A_330 = vector.shape_cast %get3A_329 : vector<1x1x16xf32> to vector<16xf32>
      %mul3A_331 = arith.mulf %get3A_324, %get3A_330 : vector<16xf32>
      %add3A_332 = arith.addf %add3A_318, %mul3A_331 : vector<16xf32>
      scf.yield %add3A_332 : vector<16xf32>
    }
    %scan3A_79 = arith.constant 128 : i32
    %add3A_80 = arith.constant 256 : i32
    %add3A_81 = arith.addi %mul3A_2, %add3A_80 : i32
    %dma_start3A_82 = arith.constant 0 : i32
    %dma_start3A_83 = arith.constant 0 : i32
    %dma_start3A_84 = arith.constant 0 : i32
    %dma_start3A_85 = tpu.memref_slice %arg7[%dma_start3A_82, %dma_start3A_83, %dma_start3A_84] : memref<2x128x128xf32, #tpu.memory_space<vmem>> -> memref<1x128x128xf32, #tpu.memory_space<vmem>>
    %dma_start3A_86 = tpu.memref_squeeze %dma_start3A_85 : memref<1x128x128xf32, #tpu.memory_space<vmem>> -> memref<128x128xf32, #tpu.memory_space<vmem>>
    %dma_start3A_87 = arith.constant 0 : i32
    %dma_start3A_88 = tpu.memref_slice %arg3[%add3A_81, %dma_start3A_87] : memref<16384x128xf32, #tpu.memory_space<hbm>> -> memref<128x128xf32, #tpu.memory_space<hbm>>
    %dma_start3A_89 = arith.constant 0 : i32
    %dma_start3A_90 = arith.constant 0 : i32
    %dma_start3A_91 = tpu.memref_slice %arg7[%dma_start3A_82, %dma_start3A_89, %dma_start3A_90] : memref<2x128x128xf32, #tpu.memory_space<vmem>> -> memref<1x128x128xf32, #tpu.memory_space<vmem>>
    %dma_start3A_92 = tpu.memref_squeeze %dma_start3A_91 : memref<1x128x128xf32, #tpu.memory_space<vmem>> -> memref<128x128xf32, #tpu.memory_space<vmem>>
    %dma_start3A_93 = arith.constant 0 : i32
    %dma_start3A_94 = tpu.memref_slice %arg3[%add3A_81, %dma_start3A_93] : memref<16384x128xf32, #tpu.memory_space<hbm>> -> memref<128x128xf32, #tpu.memory_space<hbm>>
    tpu.enqueue_dma source(%dma_start3A_94 : memref<128x128xf32, #tpu.memory_space<hbm>>) target(%dma_start3A_92 : memref<128x128xf32, #tpu.memory_space<vmem>>) target_semaphore(%arg10 : memref<!tpu.dma_semaphore, #tpu.memory_space<semaphore_mem>>)
    %dma_start3A_95 = arith.constant 0 : i32
    %dma_start3A_96 = arith.constant 0 : i32
    %dma_start3A_97 = arith.constant 0 : i32
    %dma_start3A_98 = tpu.memref_slice %arg8[%dma_start3A_95, %dma_start3A_96, %dma_start3A_97] : memref<2x128x128xf32, #tpu.memory_space<vmem>> -> memref<1x128x128xf32, #tpu.memory_space<vmem>>
    %dma_start3A_99 = tpu.memref_squeeze %dma_start3A_98 : memref<1x128x128xf32, #tpu.memory_space<vmem>> -> memref<128x128xf32, #tpu.memory_space<vmem>>
    %dma_start3A_100 = arith.constant 256 : i32
    %dma_start3A_101 = tpu.memref_slice %arg6[%dma_start3A_100] : memref<512xi32, #tpu.memory_space<vmem>> -> memref<128xi32, #tpu.memory_space<vmem>>
    %dma_start3A_102 = arith.constant 0 : i32
    %dma_start3A_103 = arith.constant 0 : i32
    %dma_start3A_104 = tpu.memref_slice %arg2[%dma_start3A_102, %dma_start3A_103] : memref<100000x128xf32, #tpu.memory_space<hbm>> -> memref<100000x128xf32, #tpu.memory_space<hbm>>
    tpu.enqueue_indirect_dma source(%dma_start3A_104 : memref<100000x128xf32, #tpu.memory_space<hbm>>) target(%dma_start3A_99 : memref<128x128xf32, #tpu.memory_space<vmem>>) offsets(%dma_start3A_101 : memref<128xi32, #tpu.memory_space<vmem>>) semaphore(%arg10 : memref<!tpu.dma_semaphore, #tpu.memory_space<semaphore_mem>>)
    %dma_wait3A_105 = arith.constant 1 : i32
    %dma_wait3A_106 = arith.constant 0 : i32
    %dma_wait3A_107 = arith.constant 0 : i32
    %dma_wait3A_108 = tpu.memref_slice %arg7[%dma_wait3A_105, %dma_wait3A_106, %dma_wait3A_107] : memref<2x128x128xf32, #tpu.memory_space<vmem>> -> memref<1x128x128xf32, #tpu.memory_space<vmem>>
    %dma_wait3A_109 = tpu.memref_squeeze %dma_wait3A_108 : memref<1x128x128xf32, #tpu.memory_space<vmem>> -> memref<128x128xf32, #tpu.memory_space<vmem>>
    %dma_wait3A_110 = arith.constant 0 : i32
    %dma_wait3A_111 = tpu.memref_slice %arg3[%add3A_29, %dma_wait3A_110] : memref<16384x128xf32, #tpu.memory_space<hbm>> -> memref<128x128xf32, #tpu.memory_space<hbm>>
    %dma_wait3A_112 = arith.constant 0 : i32
    %dma_wait3A_113 = arith.constant 0 : i32
    %dma_wait3A_114 = tpu.memref_slice %arg7[%dma_wait3A_105, %dma_wait3A_112, %dma_wait3A_113] : memref<2x128x128xf32, #tpu.memory_space<vmem>> -> memref<1x128x128xf32, #tpu.memory_space<vmem>>
    %dma_wait3A_115 = tpu.memref_squeeze %dma_wait3A_114 : memref<1x128x128xf32, #tpu.memory_space<vmem>> -> memref<128x128xf32, #tpu.memory_space<vmem>>
    %dma_wait3A_116 = arith.constant 0 : i32
    %dma_wait3A_117 = tpu.memref_slice %arg3[%add3A_29, %dma_wait3A_116] : memref<16384x128xf32, #tpu.memory_space<hbm>> -> memref<128x128xf32, #tpu.memory_space<hbm>>
    tpu.wait_dma2 semaphore(%arg11 : memref<!tpu.dma_semaphore, #tpu.memory_space<semaphore_mem>>) src(%dma_wait3A_117 : memref<128x128xf32, #tpu.memory_space<hbm>>) dst(%dma_wait3A_115 : memref<128x128xf32, #tpu.memory_space<vmem>>)
    %dma_wait3A_118 = arith.constant 1 : i32
    %dma_wait3A_119 = arith.constant 0 : i32
    %dma_wait3A_120 = arith.constant 0 : i32
    %dma_wait3A_121 = tpu.memref_slice %arg8[%dma_wait3A_118, %dma_wait3A_119, %dma_wait3A_120] : memref<2x128x128xf32, #tpu.memory_space<vmem>> -> memref<1x128x128xf32, #tpu.memory_space<vmem>>
    %dma_wait3A_122 = tpu.memref_squeeze %dma_wait3A_121 : memref<1x128x128xf32, #tpu.memory_space<vmem>> -> memref<128x128xf32, #tpu.memory_space<vmem>>
    %dma_wait3A_123 = arith.constant 128 : i32
    %dma_wait3A_124 = tpu.memref_slice %arg6[%dma_wait3A_123] : memref<512xi32, #tpu.memory_space<vmem>> -> memref<128xi32, #tpu.memory_space<vmem>>
    %dma_wait3A_125 = arith.constant 0 : i32
    %dma_wait3A_126 = arith.constant 0 : i32
    %dma_wait3A_127 = tpu.memref_slice %arg2[%dma_wait3A_125, %dma_wait3A_126] : memref<100000x128xf32, #tpu.memory_space<hbm>> -> memref<100000x128xf32, #tpu.memory_space<hbm>>
    tpu.wait_indirect_dma semaphore(%arg11 : memref<!tpu.dma_semaphore, #tpu.memory_space<semaphore_mem>>) src(%dma_wait3A_127 : memref<100000x128xf32, #tpu.memory_space<hbm>>) dst(%dma_wait3A_122 : memref<128x128xf32, #tpu.memory_space<vmem>>)
    %scan3A_128 = arith.constant 0 : i32
    %scan3A_129 = arith.constant 128 : i32
    %scan3A_130 = arith.addi %scan3A_128, %scan3A_129 : i32
    %scan3A_131 = arith.constant 1 : i32
    %scan3A_132 = scf.for %scan3A_220 = %scan3A_128 to %scan3A_130 step %scan3A_131 iter_args(%scan3A_221 = %scan3A_78) -> (vector<16xf32>)  : i32 {
      %get3A = arith.constant 1 : i32
      %get3A_222 = arith.index_cast %get3A : i32 to index
      %get3A_223 = arith.index_cast %scan3A_220 : i32 to index
      %get3A_224 = arith.constant 0 : index
      %get3A_225 = tpu.vector_load %arg7[%get3A_222, %get3A_223, %get3A_224] {strides = array<i32>} : memref<2x128x128xf32, #tpu.memory_space<vmem>>, vector<1x1x16xf32>,
      %get3A_226 = vector.shape_cast %get3A_225 : vector<1x1x16xf32> to vector<16xf32>
      %get3A_227 = arith.constant 1 : i32
      %get3A_228 = arith.index_cast %get3A_227 : i32 to index
      %get3A_229 = arith.index_cast %scan3A_220 : i32 to index
      %get3A_230 = arith.constant 0 : index
      %get3A_231 = tpu.vector_load %arg8[%get3A_228, %get3A_229, %get3A_230] {strides = array<i32>} : memref<2x128x128xf32, #tpu.memory_space<vmem>>, vector<1x1x16xf32>,
      %get3A_232 = vector.shape_cast %get3A_231 : vector<1x1x16xf32> to vector<16xf32>
      %mul3A_233 = arith.mulf %get3A_226, %get3A_232 : vector<16xf32>
      %add3A_234 = arith.addf %scan3A_221, %mul3A_233 : vector<16xf32>
      %get3A_235 = arith.constant 1 : i32
      %get3A_236 = arith.index_cast %get3A_235 : i32 to index
      %get3A_237 = arith.index_cast %scan3A_220 : i32 to index
      %get3A_238 = arith.constant 16 : index
      %get3A_239 = tpu.vector_load %arg7[%get3A_236, %get3A_237, %get3A_238] {strides = array<i32>} : memref<2x128x128xf32, #tpu.memory_space<vmem>>, vector<1x1x16xf32>,
      %get3A_240 = vector.shape_cast %get3A_239 : vector<1x1x16xf32> to vector<16xf32>
      %get3A_241 = arith.constant 1 : i32
      %get3A_242 = arith.index_cast %get3A_241 : i32 to index
      %get3A_243 = arith.index_cast %scan3A_220 : i32 to index
      %get3A_244 = arith.constant 16 : index
      %get3A_245 = tpu.vector_load %arg8[%get3A_242, %get3A_243, %get3A_244] {strides = array<i32>} : memref<2x128x128xf32, #tpu.memory_space<vmem>>, vector<1x1x16xf32>,
      %get3A_246 = vector.shape_cast %get3A_245 : vector<1x1x16xf32> to vector<16xf32>
      %mul3A_247 = arith.mulf %get3A_240, %get3A_246 : vector<16xf32>
      %add3A_248 = arith.addf %add3A_234, %mul3A_247 : vector<16xf32>
      %get3A_249 = arith.constant 1 : i32
      %get3A_250 = arith.index_cast %get3A_249 : i32 to index
      %get3A_251 = arith.index_cast %scan3A_220 : i32 to index
      %get3A_252 = arith.constant 32 : index
      %get3A_253 = tpu.vector_load %arg7[%get3A_250, %get3A_251, %get3A_252] {strides = array<i32>} : memref<2x128x128xf32, #tpu.memory_space<vmem>>, vector<1x1x16xf32>,
      %get3A_254 = vector.shape_cast %get3A_253 : vector<1x1x16xf32> to vector<16xf32>
      %get3A_255 = arith.constant 1 : i32
      %get3A_256 = arith.index_cast %get3A_255 : i32 to index
      %get3A_257 = arith.index_cast %scan3A_220 : i32 to index
      %get3A_258 = arith.constant 32 : index
      %get3A_259 = tpu.vector_load %arg8[%get3A_256, %get3A_257, %get3A_258] {strides = array<i32>} : memref<2x128x128xf32, #tpu.memory_space<vmem>>, vector<1x1x16xf32>,
      %get3A_260 = vector.shape_cast %get3A_259 : vector<1x1x16xf32> to vector<16xf32>
      %mul3A_261 = arith.mulf %get3A_254, %get3A_260 : vector<16xf32>
      %add3A_262 = arith.addf %add3A_248, %mul3A_261 : vector<16xf32>
      %get3A_263 = arith.constant 1 : i32
      %get3A_264 = arith.index_cast %get3A_263 : i32 to index
      %get3A_265 = arith.index_cast %scan3A_220 : i32 to index
      %get3A_266 = arith.constant 48 : index
      %get3A_267 = tpu.vector_load %arg7[%get3A_264, %get3A_265, %get3A_266] {strides = array<i32>} : memref<2x128x128xf32, #tpu.memory_space<vmem>>, vector<1x1x16xf32>,
      %get3A_268 = vector.shape_cast %get3A_267 : vector<1x1x16xf32> to vector<16xf32>
      %get3A_269 = arith.constant 1 : i32
      %get3A_270 = arith.index_cast %get3A_269 : i32 to index
      %get3A_271 = arith.index_cast %scan3A_220 : i32 to index
      %get3A_272 = arith.constant 48 : index
      %get3A_273 = tpu.vector_load %arg8[%get3A_270, %get3A_271, %get3A_272] {strides = array<i32>} : memref<2x128x128xf32, #tpu.memory_space<vmem>>, vector<1x1x16xf32>,
      %get3A_274 = vector.shape_cast %get3A_273 : vector<1x1x16xf32> to vector<16xf32>
      %mul3A_275 = arith.mulf %get3A_268, %get3A_274 : vector<16xf32>
      %add3A_276 = arith.addf %add3A_262, %mul3A_275 : vector<16xf32>
      %get3A_277 = arith.constant 1 : i32
      %get3A_278 = arith.index_cast %get3A_277 : i32 to index
      %get3A_279 = arith.index_cast %scan3A_220 : i32 to index
      %get3A_280 = arith.constant 64 : index
      %get3A_281 = tpu.vector_load %arg7[%get3A_278, %get3A_279, %get3A_280] {strides = array<i32>} : memref<2x128x128xf32, #tpu.memory_space<vmem>>, vector<1x1x16xf32>,
      %get3A_282 = vector.shape_cast %get3A_281 : vector<1x1x16xf32> to vector<16xf32>
      %get3A_283 = arith.constant 1 : i32
      %get3A_284 = arith.index_cast %get3A_283 : i32 to index
      %get3A_285 = arith.index_cast %scan3A_220 : i32 to index
      %get3A_286 = arith.constant 64 : index
      %get3A_287 = tpu.vector_load %arg8[%get3A_284, %get3A_285, %get3A_286] {strides = array<i32>} : memref<2x128x128xf32, #tpu.memory_space<vmem>>, vector<1x1x16xf32>,
      %get3A_288 = vector.shape_cast %get3A_287 : vector<1x1x16xf32> to vector<16xf32>
      %mul3A_289 = arith.mulf %get3A_282, %get3A_288 : vector<16xf32>
      %add3A_290 = arith.addf %add3A_276, %mul3A_289 : vector<16xf32>
      %get3A_291 = arith.constant 1 : i32
      %get3A_292 = arith.index_cast %get3A_291 : i32 to index
      %get3A_293 = arith.index_cast %scan3A_220 : i32 to index
      %get3A_294 = arith.constant 80 : index
      %get3A_295 = tpu.vector_load %arg7[%get3A_292, %get3A_293, %get3A_294] {strides = array<i32>} : memref<2x128x128xf32, #tpu.memory_space<vmem>>, vector<1x1x16xf32>,
      %get3A_296 = vector.shape_cast %get3A_295 : vector<1x1x16xf32> to vector<16xf32>
      %get3A_297 = arith.constant 1 : i32
      %get3A_298 = arith.index_cast %get3A_297 : i32 to index
      %get3A_299 = arith.index_cast %scan3A_220 : i32 to index
      %get3A_300 = arith.constant 80 : index
      %get3A_301 = tpu.vector_load %arg8[%get3A_298, %get3A_299, %get3A_300] {strides = array<i32>} : memref<2x128x128xf32, #tpu.memory_space<vmem>>, vector<1x1x16xf32>,
      %get3A_302 = vector.shape_cast %get3A_301 : vector<1x1x16xf32> to vector<16xf32>
      %mul3A_303 = arith.mulf %get3A_296, %get3A_302 : vector<16xf32>
      %add3A_304 = arith.addf %add3A_290, %mul3A_303 : vector<16xf32>
      %get3A_305 = arith.constant 1 : i32
      %get3A_306 = arith.index_cast %get3A_305 : i32 to index
      %get3A_307 = arith.index_cast %scan3A_220 : i32 to index
      %get3A_308 = arith.constant 96 : index
      %get3A_309 = tpu.vector_load %arg7[%get3A_306, %get3A_307, %get3A_308] {strides = array<i32>} : memref<2x128x128xf32, #tpu.memory_space<vmem>>, vector<1x1x16xf32>,
      %get3A_310 = vector.shape_cast %get3A_309 : vector<1x1x16xf32> to vector<16xf32>
      %get3A_311 = arith.constant 1 : i32
      %get3A_312 = arith.index_cast %get3A_311 : i32 to index
      %get3A_313 = arith.index_cast %scan3A_220 : i32 to index
      %get3A_314 = arith.constant 96 : index
      %get3A_315 = tpu.vector_load %arg8[%get3A_312, %get3A_313, %get3A_314] {strides = array<i32>} : memref<2x128x128xf32, #tpu.memory_space<vmem>>, vector<1x1x16xf32>,
      %get3A_316 = vector.shape_cast %get3A_315 : vector<1x1x16xf32> to vector<16xf32>
      %mul3A_317 = arith.mulf %get3A_310, %get3A_316 : vector<16xf32>
      %add3A_318 = arith.addf %add3A_304, %mul3A_317 : vector<16xf32>
      %get3A_319 = arith.constant 1 : i32
      %get3A_320 = arith.index_cast %get3A_319 : i32 to index
      %get3A_321 = arith.index_cast %scan3A_220 : i32 to index
      %get3A_322 = arith.constant 112 : index
      %get3A_323 = tpu.vector_load %arg7[%get3A_320, %get3A_321, %get3A_322] {strides = array<i32>} : memref<2x128x128xf32, #tpu.memory_space<vmem>>, vector<1x1x16xf32>,
      %get3A_324 = vector.shape_cast %get3A_323 : vector<1x1x16xf32> to vector<16xf32>
      %get3A_325 = arith.constant 1 : i32
      %get3A_326 = arith.index_cast %get3A_325 : i32 to index
      %get3A_327 = arith.index_cast %scan3A_220 : i32 to index
      %get3A_328 = arith.constant 112 : index
      %get3A_329 = tpu.vector_load %arg8[%get3A_326, %get3A_327, %get3A_328] {strides = array<i32>} : memref<2x128x128xf32, #tpu.memory_space<vmem>>, vector<1x1x16xf32>,
      %get3A_330 = vector.shape_cast %get3A_329 : vector<1x1x16xf32> to vector<16xf32>
      %mul3A_331 = arith.mulf %get3A_324, %get3A_330 : vector<16xf32>
      %add3A_332 = arith.addf %add3A_318, %mul3A_331 : vector<16xf32>
      scf.yield %add3A_332 : vector<16xf32>
    }
    %scan3A_133 = arith.constant 128 : i32
    %add3A_134 = arith.constant 384 : i32
    %add3A_135 = arith.addi %mul3A_2, %add3A_134 : i32
    %dma_start3A_136 = arith.constant 1 : i32
    %dma_start3A_137 = arith.constant 0 : i32
    %dma_start3A_138 = arith.constant 0 : i32
    %dma_start3A_139 = tpu.memref_slice %arg7[%dma_start3A_136, %dma_start3A_137, %dma_start3A_138] : memref<2x128x128xf32, #tpu.memory_space<vmem>> -> memref<1x128x128xf32, #tpu.memory_space<vmem>>
    %dma_start3A_140 = tpu.memref_squeeze %dma_start3A_139 : memref<1x128x128xf32, #tpu.memory_space<vmem>> -> memref<128x128xf32, #tpu.memory_space<vmem>>
    %dma_start3A_141 = arith.constant 0 : i32
    %dma_start3A_142 = tpu.memref_slice %arg3[%add3A_135, %dma_start3A_141] : memref<16384x128xf32, #tpu.memory_space<hbm>> -> memref<128x128xf32, #tpu.memory_space<hbm>>
    %dma_start3A_143 = arith.constant 0 : i32
    %dma_start3A_144 = arith.constant 0 : i32
    %dma_start3A_145 = tpu.memref_slice %arg7[%dma_start3A_136, %dma_start3A_143, %dma_start3A_144] : memref<2x128x128xf32, #tpu.memory_space<vmem>> -> memref<1x128x128xf32, #tpu.memory_space<vmem>>
    %dma_start3A_146 = tpu.memref_squeeze %dma_start3A_145 : memref<1x128x128xf32, #tpu.memory_space<vmem>> -> memref<128x128xf32, #tpu.memory_space<vmem>>
    %dma_start3A_147 = arith.constant 0 : i32
    %dma_start3A_148 = tpu.memref_slice %arg3[%add3A_135, %dma_start3A_147] : memref<16384x128xf32, #tpu.memory_space<hbm>> -> memref<128x128xf32, #tpu.memory_space<hbm>>
    tpu.enqueue_dma source(%dma_start3A_148 : memref<128x128xf32, #tpu.memory_space<hbm>>) target(%dma_start3A_146 : memref<128x128xf32, #tpu.memory_space<vmem>>) target_semaphore(%arg11 : memref<!tpu.dma_semaphore, #tpu.memory_space<semaphore_mem>>)
    %dma_start3A_149 = arith.constant 1 : i32
    %dma_start3A_150 = arith.constant 0 : i32
    %dma_start3A_151 = arith.constant 0 : i32
    %dma_start3A_152 = tpu.memref_slice %arg8[%dma_start3A_149, %dma_start3A_150, %dma_start3A_151] : memref<2x128x128xf32, #tpu.memory_space<vmem>> -> memref<1x128x128xf32, #tpu.memory_space<vmem>>
    %dma_start3A_153 = tpu.memref_squeeze %dma_start3A_152 : memref<1x128x128xf32, #tpu.memory_space<vmem>> -> memref<128x128xf32, #tpu.memory_space<vmem>>
    %dma_start3A_154 = arith.constant 384 : i32
    %dma_start3A_155 = tpu.memref_slice %arg6[%dma_start3A_154] : memref<512xi32, #tpu.memory_space<vmem>> -> memref<128xi32, #tpu.memory_space<vmem>>
    %dma_start3A_156 = arith.constant 0 : i32
    %dma_start3A_157 = arith.constant 0 : i32
    %dma_start3A_158 = tpu.memref_slice %arg2[%dma_start3A_156, %dma_start3A_157] : memref<100000x128xf32, #tpu.memory_space<hbm>> -> memref<100000x128xf32, #tpu.memory_space<hbm>>
    tpu.enqueue_indirect_dma source(%dma_start3A_158 : memref<100000x128xf32, #tpu.memory_space<hbm>>) target(%dma_start3A_153 : memref<128x128xf32, #tpu.memory_space<vmem>>) offsets(%dma_start3A_155 : memref<128xi32, #tpu.memory_space<vmem>>) semaphore(%arg11 : memref<!tpu.dma_semaphore, #tpu.memory_space<semaphore_mem>>)
    %dma_wait3A_159 = arith.constant 0 : i32
    %dma_wait3A_160 = arith.constant 0 : i32
    %dma_wait3A_161 = arith.constant 0 : i32
    %dma_wait3A_162 = tpu.memref_slice %arg7[%dma_wait3A_159, %dma_wait3A_160, %dma_wait3A_161] : memref<2x128x128xf32, #tpu.memory_space<vmem>> -> memref<1x128x128xf32, #tpu.memory_space<vmem>>
    %dma_wait3A_163 = tpu.memref_squeeze %dma_wait3A_162 : memref<1x128x128xf32, #tpu.memory_space<vmem>> -> memref<128x128xf32, #tpu.memory_space<vmem>>
    %dma_wait3A_164 = arith.constant 0 : i32
    %dma_wait3A_165 = tpu.memref_slice %arg3[%add3A_81, %dma_wait3A_164] : memref<16384x128xf32, #tpu.memory_space<hbm>> -> memref<128x128xf32, #tpu.memory_space<hbm>>
    %dma_wait3A_166 = arith.constant 0 : i32
    %dma_wait3A_167 = arith.constant 0 : i32
    %dma_wait3A_168 = tpu.memref_slice %arg7[%dma_wait3A_159, %dma_wait3A_166, %dma_wait3A_167] : memref<2x128x128xf32, #tpu.memory_space<vmem>> -> memref<1x128x128xf32, #tpu.memory_space<vmem>>
    %dma_wait3A_169 = tpu.memref_squeeze %dma_wait3A_168 : memref<1x128x128xf32, #tpu.memory_space<vmem>> -> memref<128x128xf32, #tpu.memory_space<vmem>>
    %dma_wait3A_170 = arith.constant 0 : i32
    %dma_wait3A_171 = tpu.memref_slice %arg3[%add3A_81, %dma_wait3A_170] : memref<16384x128xf32, #tpu.memory_space<hbm>> -> memref<128x128xf32, #tpu.memory_space<hbm>>
    tpu.wait_dma2 semaphore(%arg10 : memref<!tpu.dma_semaphore, #tpu.memory_space<semaphore_mem>>) src(%dma_wait3A_171 : memref<128x128xf32, #tpu.memory_space<hbm>>) dst(%dma_wait3A_169 : memref<128x128xf32, #tpu.memory_space<vmem>>)
    %dma_wait3A_172 = arith.constant 0 : i32
    %dma_wait3A_173 = arith.constant 0 : i32
    %dma_wait3A_174 = arith.constant 0 : i32
    %dma_wait3A_175 = tpu.memref_slice %arg8[%dma_wait3A_172, %dma_wait3A_173, %dma_wait3A_174] : memref<2x128x128xf32, #tpu.memory_space<vmem>> -> memref<1x128x128xf32, #tpu.memory_space<vmem>>
    %dma_wait3A_176 = tpu.memref_squeeze %dma_wait3A_175 : memref<1x128x128xf32, #tpu.memory_space<vmem>> -> memref<128x128xf32, #tpu.memory_space<vmem>>
    %dma_wait3A_177 = arith.constant 256 : i32
    %dma_wait3A_178 = tpu.memref_slice %arg6[%dma_wait3A_177] : memref<512xi32, #tpu.memory_space<vmem>> -> memref<128xi32, #tpu.memory_space<vmem>>
    %dma_wait3A_179 = arith.constant 0 : i32
    %dma_wait3A_180 = arith.constant 0 : i32
    %dma_wait3A_181 = tpu.memref_slice %arg2[%dma_wait3A_179, %dma_wait3A_180] : memref<100000x128xf32, #tpu.memory_space<hbm>> -> memref<100000x128xf32, #tpu.memory_space<hbm>>
    tpu.wait_indirect_dma semaphore(%arg10 : memref<!tpu.dma_semaphore, #tpu.memory_space<semaphore_mem>>) src(%dma_wait3A_181 : memref<100000x128xf32, #tpu.memory_space<hbm>>) dst(%dma_wait3A_176 : memref<128x128xf32, #tpu.memory_space<vmem>>)
    %scan3A_182 = arith.constant 0 : i32
    %scan3A_183 = arith.constant 128 : i32
    %scan3A_184 = arith.addi %scan3A_182, %scan3A_183 : i32
    %scan3A_185 = arith.constant 1 : i32
    %scan3A_186 = scf.for %scan3A_220 = %scan3A_182 to %scan3A_184 step %scan3A_185 iter_args(%scan3A_221 = %scan3A_132) -> (vector<16xf32>)  : i32 {
      %get3A = arith.constant 0 : i32
      %get3A_222 = arith.index_cast %get3A : i32 to index
      %get3A_223 = arith.index_cast %scan3A_220 : i32 to index
      %get3A_224 = arith.constant 0 : index
      %get3A_225 = tpu.vector_load %arg7[%get3A_222, %get3A_223, %get3A_224] {strides = array<i32>} : memref<2x128x128xf32, #tpu.memory_space<vmem>>, vector<1x1x16xf32>,
      %get3A_226 = vector.shape_cast %get3A_225 : vector<1x1x16xf32> to vector<16xf32>
      %get3A_227 = arith.constant 0 : i32
      %get3A_228 = arith.index_cast %get3A_227 : i32 to index
      %get3A_229 = arith.index_cast %scan3A_220 : i32 to index
      %get3A_230 = arith.constant 0 : index
      %get3A_231 = tpu.vector_load %arg8[%get3A_228, %get3A_229, %get3A_230] {strides = array<i32>} : memref<2x128x128xf32, #tpu.memory_space<vmem>>, vector<1x1x16xf32>,
      %get3A_232 = vector.shape_cast %get3A_231 : vector<1x1x16xf32> to vector<16xf32>
      %mul3A_233 = arith.mulf %get3A_226, %get3A_232 : vector<16xf32>
      %add3A_234 = arith.addf %scan3A_221, %mul3A_233 : vector<16xf32>
      %get3A_235 = arith.constant 0 : i32
      %get3A_236 = arith.index_cast %get3A_235 : i32 to index
      %get3A_237 = arith.index_cast %scan3A_220 : i32 to index
      %get3A_238 = arith.constant 16 : index
      %get3A_239 = tpu.vector_load %arg7[%get3A_236, %get3A_237, %get3A_238] {strides = array<i32>} : memref<2x128x128xf32, #tpu.memory_space<vmem>>, vector<1x1x16xf32>,
      %get3A_240 = vector.shape_cast %get3A_239 : vector<1x1x16xf32> to vector<16xf32>
      %get3A_241 = arith.constant 0 : i32
      %get3A_242 = arith.index_cast %get3A_241 : i32 to index
      %get3A_243 = arith.index_cast %scan3A_220 : i32 to index
      %get3A_244 = arith.constant 16 : index
      %get3A_245 = tpu.vector_load %arg8[%get3A_242, %get3A_243, %get3A_244] {strides = array<i32>} : memref<2x128x128xf32, #tpu.memory_space<vmem>>, vector<1x1x16xf32>,
      %get3A_246 = vector.shape_cast %get3A_245 : vector<1x1x16xf32> to vector<16xf32>
      %mul3A_247 = arith.mulf %get3A_240, %get3A_246 : vector<16xf32>
      %add3A_248 = arith.addf %add3A_234, %mul3A_247 : vector<16xf32>
      %get3A_249 = arith.constant 0 : i32
      %get3A_250 = arith.index_cast %get3A_249 : i32 to index
      %get3A_251 = arith.index_cast %scan3A_220 : i32 to index
      %get3A_252 = arith.constant 32 : index
      %get3A_253 = tpu.vector_load %arg7[%get3A_250, %get3A_251, %get3A_252] {strides = array<i32>} : memref<2x128x128xf32, #tpu.memory_space<vmem>>, vector<1x1x16xf32>,
      %get3A_254 = vector.shape_cast %get3A_253 : vector<1x1x16xf32> to vector<16xf32>
      %get3A_255 = arith.constant 0 : i32
      %get3A_256 = arith.index_cast %get3A_255 : i32 to index
      %get3A_257 = arith.index_cast %scan3A_220 : i32 to index
      %get3A_258 = arith.constant 32 : index
      %get3A_259 = tpu.vector_load %arg8[%get3A_256, %get3A_257, %get3A_258] {strides = array<i32>} : memref<2x128x128xf32, #tpu.memory_space<vmem>>, vector<1x1x16xf32>,
      %get3A_260 = vector.shape_cast %get3A_259 : vector<1x1x16xf32> to vector<16xf32>
      %mul3A_261 = arith.mulf %get3A_254, %get3A_260 : vector<16xf32>
      %add3A_262 = arith.addf %add3A_248, %mul3A_261 : vector<16xf32>
      %get3A_263 = arith.constant 0 : i32
      %get3A_264 = arith.index_cast %get3A_263 : i32 to index
      %get3A_265 = arith.index_cast %scan3A_220 : i32 to index
      %get3A_266 = arith.constant 48 : index
      %get3A_267 = tpu.vector_load %arg7[%get3A_264, %get3A_265, %get3A_266] {strides = array<i32>} : memref<2x128x128xf32, #tpu.memory_space<vmem>>, vector<1x1x16xf32>,
      %get3A_268 = vector.shape_cast %get3A_267 : vector<1x1x16xf32> to vector<16xf32>
      %get3A_269 = arith.constant 0 : i32
      %get3A_270 = arith.index_cast %get3A_269 : i32 to index
      %get3A_271 = arith.index_cast %scan3A_220 : i32 to index
      %get3A_272 = arith.constant 48 : index
      %get3A_273 = tpu.vector_load %arg8[%get3A_270, %get3A_271, %get3A_272] {strides = array<i32>} : memref<2x128x128xf32, #tpu.memory_space<vmem>>, vector<1x1x16xf32>,
      %get3A_274 = vector.shape_cast %get3A_273 : vector<1x1x16xf32> to vector<16xf32>
      %mul3A_275 = arith.mulf %get3A_268, %get3A_274 : vector<16xf32>
      %add3A_276 = arith.addf %add3A_262, %mul3A_275 : vector<16xf32>
      %get3A_277 = arith.constant 0 : i32
      %get3A_278 = arith.index_cast %get3A_277 : i32 to index
      %get3A_279 = arith.index_cast %scan3A_220 : i32 to index
      %get3A_280 = arith.constant 64 : index
      %get3A_281 = tpu.vector_load %arg7[%get3A_278, %get3A_279, %get3A_280] {strides = array<i32>} : memref<2x128x128xf32, #tpu.memory_space<vmem>>, vector<1x1x16xf32>,
      %get3A_282 = vector.shape_cast %get3A_281 : vector<1x1x16xf32> to vector<16xf32>
      %get3A_283 = arith.constant 0 : i32
      %get3A_284 = arith.index_cast %get3A_283 : i32 to index
      %get3A_285 = arith.index_cast %scan3A_220 : i32 to index
      %get3A_286 = arith.constant 64 : index
      %get3A_287 = tpu.vector_load %arg8[%get3A_284, %get3A_285, %get3A_286] {strides = array<i32>} : memref<2x128x128xf32, #tpu.memory_space<vmem>>, vector<1x1x16xf32>,
      %get3A_288 = vector.shape_cast %get3A_287 : vector<1x1x16xf32> to vector<16xf32>
      %mul3A_289 = arith.mulf %get3A_282, %get3A_288 : vector<16xf32>
      %add3A_290 = arith.addf %add3A_276, %mul3A_289 : vector<16xf32>
      %get3A_291 = arith.constant 0 : i32
      %get3A_292 = arith.index_cast %get3A_291 : i32 to index
      %get3A_293 = arith.index_cast %scan3A_220 : i32 to index
      %get3A_294 = arith.constant 80 : index
      %get3A_295 = tpu.vector_load %arg7[%get3A_292, %get3A_293, %get3A_294] {strides = array<i32>} : memref<2x128x128xf32, #tpu.memory_space<vmem>>, vector<1x1x16xf32>,
      %get3A_296 = vector.shape_cast %get3A_295 : vector<1x1x16xf32> to vector<16xf32>
      %get3A_297 = arith.constant 0 : i32
      %get3A_298 = arith.index_cast %get3A_297 : i32 to index
      %get3A_299 = arith.index_cast %scan3A_220 : i32 to index
      %get3A_300 = arith.constant 80 : index
      %get3A_301 = tpu.vector_load %arg8[%get3A_298, %get3A_299, %get3A_300] {strides = array<i32>} : memref<2x128x128xf32, #tpu.memory_space<vmem>>, vector<1x1x16xf32>,
      %get3A_302 = vector.shape_cast %get3A_301 : vector<1x1x16xf32> to vector<16xf32>
      %mul3A_303 = arith.mulf %get3A_296, %get3A_302 : vector<16xf32>
      %add3A_304 = arith.addf %add3A_290, %mul3A_303 : vector<16xf32>
      %get3A_305 = arith.constant 0 : i32
      %get3A_306 = arith.index_cast %get3A_305 : i32 to index
      %get3A_307 = arith.index_cast %scan3A_220 : i32 to index
      %get3A_308 = arith.constant 96 : index
      %get3A_309 = tpu.vector_load %arg7[%get3A_306, %get3A_307, %get3A_308] {strides = array<i32>} : memref<2x128x128xf32, #tpu.memory_space<vmem>>, vector<1x1x16xf32>,
      %get3A_310 = vector.shape_cast %get3A_309 : vector<1x1x16xf32> to vector<16xf32>
      %get3A_311 = arith.constant 0 : i32
      %get3A_312 = arith.index_cast %get3A_311 : i32 to index
      %get3A_313 = arith.index_cast %scan3A_220 : i32 to index
      %get3A_314 = arith.constant 96 : index
      %get3A_315 = tpu.vector_load %arg8[%get3A_312, %get3A_313, %get3A_314] {strides = array<i32>} : memref<2x128x128xf32, #tpu.memory_space<vmem>>, vector<1x1x16xf32>,
      %get3A_316 = vector.shape_cast %get3A_315 : vector<1x1x16xf32> to vector<16xf32>
      %mul3A_317 = arith.mulf %get3A_310, %get3A_316 : vector<16xf32>
      %add3A_318 = arith.addf %add3A_304, %mul3A_317 : vector<16xf32>
      %get3A_319 = arith.constant 0 : i32
      %get3A_320 = arith.index_cast %get3A_319 : i32 to index
      %get3A_321 = arith.index_cast %scan3A_220 : i32 to index
      %get3A_322 = arith.constant 112 : index
      %get3A_323 = tpu.vector_load %arg7[%get3A_320, %get3A_321, %get3A_322] {strides = array<i32>} : memref<2x128x128xf32, #tpu.memory_space<vmem>>, vector<1x1x16xf32>,
      %get3A_324 = vector.shape_cast %get3A_323 : vector<1x1x16xf32> to vector<16xf32>
      %get3A_325 = arith.constant 0 : i32
      %get3A_326 = arith.index_cast %get3A_325 : i32 to index
      %get3A_327 = arith.index_cast %scan3A_220 : i32 to index
      %get3A_328 = arith.constant 112 : index
      %get3A_329 = tpu.vector_load %arg8[%get3A_326, %get3A_327, %get3A_328] {strides = array<i32>} : memref<2x128x128xf32, #tpu.memory_space<vmem>>, vector<1x1x16xf32>,
      %get3A_330 = vector.shape_cast %get3A_329 : vector<1x1x16xf32> to vector<16xf32>
      %mul3A_331 = arith.mulf %get3A_324, %get3A_330 : vector<16xf32>
      %add3A_332 = arith.addf %add3A_318, %mul3A_331 : vector<16xf32>
      scf.yield %add3A_332 : vector<16xf32>
    }
    %scan3A_187 = arith.constant 128 : i32
    %dma_wait3A_188 = arith.constant 1 : i32
    %dma_wait3A_189 = arith.constant 0 : i32
    %dma_wait3A_190 = arith.constant 0 : i32
    %dma_wait3A_191 = tpu.memref_slice %arg7[%dma_wait3A_188, %dma_wait3A_189, %dma_wait3A_190] : memref<2x128x128xf32, #tpu.memory_space<vmem>> -> memref<1x128x128xf32, #tpu.memory_space<vmem>>
    %dma_wait3A_192 = tpu.memref_squeeze %dma_wait3A_191 : memref<1x128x128xf32, #tpu.memory_space<vmem>> -> memref<128x128xf32, #tpu.memory_space<vmem>>
    %dma_wait3A_193 = arith.constant 0 : i32
    %dma_wait3A_194 = tpu.memref_slice %arg3[%add3A_135, %dma_wait3A_193] : memref<16384x128xf32, #tpu.memory_space<hbm>> -> memref<128x128xf32, #tpu.memory_space<hbm>>
    %dma_wait3A_195 = arith.constant 0 : i32
    %dma_wait3A_196 = arith.constant 0 : i32
    %dma_wait3A_197 = tpu.memref_slice %arg7[%dma_wait3A_188, %dma_wait3A_195, %dma_wait3A_196] : memref<2x128x128xf32, #tpu.memory_space<vmem>> -> memref<1x128x128xf32, #tpu.memory_space<vmem>>
    %dma_wait3A_198 = tpu.memref_squeeze %dma_wait3A_197 : memref<1x128x128xf32, #tpu.memory_space<vmem>> -> memref<128x128xf32, #tpu.memory_space<vmem>>
    %dma_wait3A_199 = arith.constant 0 : i32
    %dma_wait3A_200 = tpu.memref_slice %arg3[%add3A_135, %dma_wait3A_199] : memref<16384x128xf32, #tpu.memory_space<hbm>> -> memref<128x128xf32, #tpu.memory_space<hbm>>
    tpu.wait_dma2 semaphore(%arg11 : memref<!tpu.dma_semaphore, #tpu.memory_space<semaphore_mem>>) src(%dma_wait3A_200 : memref<128x128xf32, #tpu.memory_space<hbm>>) dst(%dma_wait3A_198 : memref<128x128xf32, #tpu.memory_space<vmem>>)
    %dma_wait3A_201 = arith.constant 1 : i32
    %dma_wait3A_202 = arith.constant 0 : i32
    %dma_wait3A_203 = arith.constant 0 : i32
    %dma_wait3A_204 = tpu.memref_slice %arg8[%dma_wait3A_201, %dma_wait3A_202, %dma_wait3A_203] : memref<2x128x128xf32, #tpu.memory_space<vmem>> -> memref<1x128x128xf32, #tpu.memory_space<vmem>>
    %dma_wait3A_205 = tpu.memref_squeeze %dma_wait3A_204 : memref<1x128x128xf32, #tpu.memory_space<vmem>> -> memref<128x128xf32, #tpu.memory_space<vmem>>
    %dma_wait3A_206 = arith.constant 384 : i32
    %dma_wait3A_207 = tpu.memref_slice %arg6[%dma_wait3A_206] : memref<512xi32, #tpu.memory_space<vmem>> -> memref<128xi32, #tpu.memory_space<vmem>>
    %dma_wait3A_208 = arith.constant 0 : i32
    %dma_wait3A_209 = arith.constant 0 : i32
    %dma_wait3A_210 = tpu.memref_slice %arg2[%dma_wait3A_208, %dma_wait3A_209] : memref<100000x128xf32, #tpu.memory_space<hbm>> -> memref<100000x128xf32, #tpu.memory_space<hbm>>
    tpu.wait_indirect_dma semaphore(%arg11 : memref<!tpu.dma_semaphore, #tpu.memory_space<semaphore_mem>>) src(%dma_wait3A_210 : memref<100000x128xf32, #tpu.memory_space<hbm>>) dst(%dma_wait3A_205 : memref<128x128xf32, #tpu.memory_space<vmem>>)
    %scan3A_211 = arith.constant 0 : i32
    %scan3A_212 = arith.constant 128 : i32
    %scan3A_213 = arith.addi %scan3A_211, %scan3A_212 : i32
    %scan3A_214 = arith.constant 1 : i32
    %scan3A_215 = scf.for %scan3A_220 = %scan3A_211 to %scan3A_213 step %scan3A_214 iter_args(%scan3A_221 = %scan3A_186) -> (vector<16xf32>)  : i32 {
      %get3A = arith.constant 1 : i32
      %get3A_222 = arith.index_cast %get3A : i32 to index
      %get3A_223 = arith.index_cast %scan3A_220 : i32 to index
      %get3A_224 = arith.constant 0 : index
      %get3A_225 = tpu.vector_load %arg7[%get3A_222, %get3A_223, %get3A_224] {strides = array<i32>} : memref<2x128x128xf32, #tpu.memory_space<vmem>>, vector<1x1x16xf32>,
      %get3A_226 = vector.shape_cast %get3A_225 : vector<1x1x16xf32> to vector<16xf32>
      %get3A_227 = arith.constant 1 : i32
      %get3A_228 = arith.index_cast %get3A_227 : i32 to index
      %get3A_229 = arith.index_cast %scan3A_220 : i32 to index
      %get3A_230 = arith.constant 0 : index
      %get3A_231 = tpu.vector_load %arg8[%get3A_228, %get3A_229, %get3A_230] {strides = array<i32>} : memref<2x128x128xf32, #tpu.memory_space<vmem>>, vector<1x1x16xf32>,
      %get3A_232 = vector.shape_cast %get3A_231 : vector<1x1x16xf32> to vector<16xf32>
      %mul3A_233 = arith.mulf %get3A_226, %get3A_232 : vector<16xf32>
      %add3A_234 = arith.addf %scan3A_221, %mul3A_233 : vector<16xf32>
      %get3A_235 = arith.constant 1 : i32
      %get3A_236 = arith.index_cast %get3A_235 : i32 to index
      %get3A_237 = arith.index_cast %scan3A_220 : i32 to index
      %get3A_238 = arith.constant 16 : index
      %get3A_239 = tpu.vector_load %arg7[%get3A_236, %get3A_237, %get3A_238] {strides = array<i32>} : memref<2x128x128xf32, #tpu.memory_space<vmem>>, vector<1x1x16xf32>,
      %get3A_240 = vector.shape_cast %get3A_239 : vector<1x1x16xf32> to vector<16xf32>
      %get3A_241 = arith.constant 1 : i32
      %get3A_242 = arith.index_cast %get3A_241 : i32 to index
      %get3A_243 = arith.index_cast %scan3A_220 : i32 to index
      %get3A_244 = arith.constant 16 : index
      %get3A_245 = tpu.vector_load %arg8[%get3A_242, %get3A_243, %get3A_244] {strides = array<i32>} : memref<2x128x128xf32, #tpu.memory_space<vmem>>, vector<1x1x16xf32>,
      %get3A_246 = vector.shape_cast %get3A_245 : vector<1x1x16xf32> to vector<16xf32>
      %mul3A_247 = arith.mulf %get3A_240, %get3A_246 : vector<16xf32>
      %add3A_248 = arith.addf %add3A_234, %mul3A_247 : vector<16xf32>
      %get3A_249 = arith.constant 1 : i32
      %get3A_250 = arith.index_cast %get3A_249 : i32 to index
      %get3A_251 = arith.index_cast %scan3A_220 : i32 to index
      %get3A_252 = arith.constant 32 : index
      %get3A_253 = tpu.vector_load %arg7[%get3A_250, %get3A_251, %get3A_252] {strides = array<i32>} : memref<2x128x128xf32, #tpu.memory_space<vmem>>, vector<1x1x16xf32>,
      %get3A_254 = vector.shape_cast %get3A_253 : vector<1x1x16xf32> to vector<16xf32>
      %get3A_255 = arith.constant 1 : i32
      %get3A_256 = arith.index_cast %get3A_255 : i32 to index
      %get3A_257 = arith.index_cast %scan3A_220 : i32 to index
      %get3A_258 = arith.constant 32 : index
      %get3A_259 = tpu.vector_load %arg8[%get3A_256, %get3A_257, %get3A_258] {strides = array<i32>} : memref<2x128x128xf32, #tpu.memory_space<vmem>>, vector<1x1x16xf32>,
      %get3A_260 = vector.shape_cast %get3A_259 : vector<1x1x16xf32> to vector<16xf32>
      %mul3A_261 = arith.mulf %get3A_254, %get3A_260 : vector<16xf32>
      %add3A_262 = arith.addf %add3A_248, %mul3A_261 : vector<16xf32>
      %get3A_263 = arith.constant 1 : i32
      %get3A_264 = arith.index_cast %get3A_263 : i32 to index
      %get3A_265 = arith.index_cast %scan3A_220 : i32 to index
      %get3A_266 = arith.constant 48 : index
      %get3A_267 = tpu.vector_load %arg7[%get3A_264, %get3A_265, %get3A_266] {strides = array<i32>} : memref<2x128x128xf32, #tpu.memory_space<vmem>>, vector<1x1x16xf32>,
      %get3A_268 = vector.shape_cast %get3A_267 : vector<1x1x16xf32> to vector<16xf32>
      %get3A_269 = arith.constant 1 : i32
      %get3A_270 = arith.index_cast %get3A_269 : i32 to index
      %get3A_271 = arith.index_cast %scan3A_220 : i32 to index
      %get3A_272 = arith.constant 48 : index
      %get3A_273 = tpu.vector_load %arg8[%get3A_270, %get3A_271, %get3A_272] {strides = array<i32>} : memref<2x128x128xf32, #tpu.memory_space<vmem>>, vector<1x1x16xf32>,
      %get3A_274 = vector.shape_cast %get3A_273 : vector<1x1x16xf32> to vector<16xf32>
      %mul3A_275 = arith.mulf %get3A_268, %get3A_274 : vector<16xf32>
      %add3A_276 = arith.addf %add3A_262, %mul3A_275 : vector<16xf32>
      %get3A_277 = arith.constant 1 : i32
      %get3A_278 = arith.index_cast %get3A_277 : i32 to index
      %get3A_279 = arith.index_cast %scan3A_220 : i32 to index
      %get3A_280 = arith.constant 64 : index
      %get3A_281 = tpu.vector_load %arg7[%get3A_278, %get3A_279, %get3A_280] {strides = array<i32>} : memref<2x128x128xf32, #tpu.memory_space<vmem>>, vector<1x1x16xf32>,
      %get3A_282 = vector.shape_cast %get3A_281 : vector<1x1x16xf32> to vector<16xf32>
      %get3A_283 = arith.constant 1 : i32
      %get3A_284 = arith.index_cast %get3A_283 : i32 to index
      %get3A_285 = arith.index_cast %scan3A_220 : i32 to index
      %get3A_286 = arith.constant 64 : index
      %get3A_287 = tpu.vector_load %arg8[%get3A_284, %get3A_285, %get3A_286] {strides = array<i32>} : memref<2x128x128xf32, #tpu.memory_space<vmem>>, vector<1x1x16xf32>,
      %get3A_288 = vector.shape_cast %get3A_287 : vector<1x1x16xf32> to vector<16xf32>
      %mul3A_289 = arith.mulf %get3A_282, %get3A_288 : vector<16xf32>
      %add3A_290 = arith.addf %add3A_276, %mul3A_289 : vector<16xf32>
      %get3A_291 = arith.constant 1 : i32
      %get3A_292 = arith.index_cast %get3A_291 : i32 to index
      %get3A_293 = arith.index_cast %scan3A_220 : i32 to index
      %get3A_294 = arith.constant 80 : index
      %get3A_295 = tpu.vector_load %arg7[%get3A_292, %get3A_293, %get3A_294] {strides = array<i32>} : memref<2x128x128xf32, #tpu.memory_space<vmem>>, vector<1x1x16xf32>,
      %get3A_296 = vector.shape_cast %get3A_295 : vector<1x1x16xf32> to vector<16xf32>
      %get3A_297 = arith.constant 1 : i32
      %get3A_298 = arith.index_cast %get3A_297 : i32 to index
      %get3A_299 = arith.index_cast %scan3A_220 : i32 to index
      %get3A_300 = arith.constant 80 : index
      %get3A_301 = tpu.vector_load %arg8[%get3A_298, %get3A_299, %get3A_300] {strides = array<i32>} : memref<2x128x128xf32, #tpu.memory_space<vmem>>, vector<1x1x16xf32>,
      %get3A_302 = vector.shape_cast %get3A_301 : vector<1x1x16xf32> to vector<16xf32>
      %mul3A_303 = arith.mulf %get3A_296, %get3A_302 : vector<16xf32>
      %add3A_304 = arith.addf %add3A_290, %mul3A_303 : vector<16xf32>
      %get3A_305 = arith.constant 1 : i32
      %get3A_306 = arith.index_cast %get3A_305 : i32 to index
      %get3A_307 = arith.index_cast %scan3A_220 : i32 to index
      %get3A_308 = arith.constant 96 : index
      %get3A_309 = tpu.vector_load %arg7[%get3A_306, %get3A_307, %get3A_308] {strides = array<i32>} : memref<2x128x128xf32, #tpu.memory_space<vmem>>, vector<1x1x16xf32>,
      %get3A_310 = vector.shape_cast %get3A_309 : vector<1x1x16xf32> to vector<16xf32>
      %get3A_311 = arith.constant 1 : i32
      %get3A_312 = arith.index_cast %get3A_311 : i32 to index
      %get3A_313 = arith.index_cast %scan3A_220 : i32 to index
      %get3A_314 = arith.constant 96 : index
      %get3A_315 = tpu.vector_load %arg8[%get3A_312, %get3A_313, %get3A_314] {strides = array<i32>} : memref<2x128x128xf32, #tpu.memory_space<vmem>>, vector<1x1x16xf32>,
      %get3A_316 = vector.shape_cast %get3A_315 : vector<1x1x16xf32> to vector<16xf32>
      %mul3A_317 = arith.mulf %get3A_310, %get3A_316 : vector<16xf32>
      %add3A_318 = arith.addf %add3A_304, %mul3A_317 : vector<16xf32>
      %get3A_319 = arith.constant 1 : i32
      %get3A_320 = arith.index_cast %get3A_319 : i32 to index
      %get3A_321 = arith.index_cast %scan3A_220 : i32 to index
      %get3A_322 = arith.constant 112 : index
      %get3A_323 = tpu.vector_load %arg7[%get3A_320, %get3A_321, %get3A_322] {strides = array<i32>} : memref<2x128x128xf32, #tpu.memory_space<vmem>>, vector<1x1x16xf32>,
      %get3A_324 = vector.shape_cast %get3A_323 : vector<1x1x16xf32> to vector<16xf32>
      %get3A_325 = arith.constant 1 : i32
      %get3A_326 = arith.index_cast %get3A_325 : i32 to index
      %get3A_327 = arith.index_cast %scan3A_220 : i32 to index
      %get3A_328 = arith.constant 112 : index
      %get3A_329 = tpu.vector_load %arg8[%get3A_326, %get3A_327, %get3A_328] {strides = array<i32>} : memref<2x128x128xf32, #tpu.memory_space<vmem>>, vector<1x1x16xf32>,
      %get3A_330 = vector.shape_cast %get3A_329 : vector<1x1x16xf32> to vector<16xf32>
      %mul3A_331 = arith.mulf %get3A_324, %get3A_330 : vector<16xf32>
      %add3A_332 = arith.addf %add3A_318, %mul3A_331 : vector<16xf32>
      scf.yield %add3A_332 : vector<16xf32>
    }
    %scan3A_216 = arith.constant 128 : i32
    %swap3A = arith.constant 0 : index
    %swap3A_217 = tpu.vector_load %arg9[%swap3A] {strides = array<i32>} : memref<16xf32, #tpu.memory_space<vmem>>, vector<16xf32>,
    %swap3A_218 = vector.shape_cast %swap3A_217 : vector<16xf32> to vector<16xf32>
    %swap3A_219 = vector.shape_cast %scan3A_215 : vector<16xf32> to vector<16xf32>
    tpu.vector_store %arg9[%swap3A], %swap3A_219 {strides = array<i32>} : memref<16xf32, #tpu.memory_space<vmem>>, vector<16xf32>,
    "tpu.region"() ({
      %run_scoped3A = tpu.sem_alloc : memref<!tpu.dma_semaphore, #tpu.memory_space<semaphore_mem>>
      %dma_start3A_220 = arith.constant 0 : i32
      %dma_start3A_221 = tpu.memref_slice %arg5[%add3A, %dma_start3A_220] : memref<32x16xf32, #tpu.memory_space<hbm>> -> memref<1x16xf32, #tpu.memory_space<hbm>>
      %dma_start3A_222 = tpu.memref_squeeze %dma_start3A_221 : memref<1x16xf32, #tpu.memory_space<hbm>> -> memref<16xf32, #tpu.memory_space<hbm>>
      %dma_start3A_223 = arith.constant 0 : i32
      %dma_start3A_224 = tpu.memref_slice %arg5[%add3A, %dma_start3A_223] : memref<32x16xf32, #tpu.memory_space<hbm>> -> memref<1x16xf32, #tpu.memory_space<hbm>>
      %dma_start3A_225 = tpu.memref_squeeze %dma_start3A_224 : memref<1x16xf32, #tpu.memory_space<hbm>> -> memref<16xf32, #tpu.memory_space<hbm>>
      tpu.enqueue_dma source(%arg9 : memref<16xf32, #tpu.memory_space<vmem>>) target(%dma_start3A_225 : memref<16xf32, #tpu.memory_space<hbm>>) target_semaphore(%run_scoped3A : memref<!tpu.dma_semaphore, #tpu.memory_space<semaphore_mem>>)
      %dma_wait3A_226 = arith.constant 0 : i32
      %dma_wait3A_227 = tpu.memref_slice %arg5[%add3A, %dma_wait3A_226] : memref<32x16xf32, #tpu.memory_space<hbm>> -> memref<1x16xf32, #tpu.memory_space<hbm>>
      %dma_wait3A_228 = tpu.memref_squeeze %dma_wait3A_227 : memref<1x16xf32, #tpu.memory_space<hbm>> -> memref<16xf32, #tpu.memory_space<hbm>>
      %dma_wait3A_229 = arith.constant 0 : i32
      %dma_wait3A_230 = tpu.memref_slice %arg5[%add3A, %dma_wait3A_229] : memref<32x16xf32, #tpu.memory_space<hbm>> -> memref<1x16xf32, #tpu.memory_space<hbm>>
      %dma_wait3A_231 = tpu.memref_squeeze %dma_wait3A_230 : memref<1x16xf32, #tpu.memory_space<hbm>> -> memref<16xf32, #tpu.memory_space<hbm>>
      tpu.wait_dma2 semaphore(%run_scoped3A : memref<!tpu.dma_semaphore, #tpu.memory_space<semaphore_mem>>) src(%arg9 : memref<16xf32, #tpu.memory_space<vmem>>) dst(%dma_wait3A_231 : memref<16xf32, #tpu.memory_space<hbm>>)
      tpu.yield
    }) : () -> ()
    return
  }
}

module attributes {stable_mosaic.version = 14 : i64} {
  func.func @_tc_combine_body(%arg0: memref<32x16xf32, #tpu.memory_space<vmem>>, %arg1: memref<1x1xf32, #tpu.memory_space<smem>>, %arg2: memref<1x1xf32, #tpu.memory_space<smem>>, %arg3: memref<1x1xf32, #tpu.memory_space<smem>>) attributes {dimension_semantics = [], scalar_prefetch = 0 : i64, scratch_operands = 0 : i64, tpu.core_type = #tpu.core_type<tc>} {
    %get3A = arith.constant 0 : index
    %get3A_0 = arith.constant 0 : index
    %get3A_1 = vector.load %arg0[%get3A, %get3A_0] : memref<32x16xf32, #tpu.memory_space<vmem>>, vector<32x16xf32>
    %reduce_sum3A = vector.shape_cast %get3A_1 : vector<32x16xf32> to vector<1x32x16xf32>
    %reduce_sum3A_2 = arith.constant dense<0.000000e+00> : vector<1xf32>
    %reduce_sum3A_3 = vector.multi_reduction <add>, %reduce_sum3A, %reduce_sum3A_2 [1, 2] : vector<1x32x16xf32> to vector<1xf32>
    %reduce_sum3A_4 = vector.shape_cast %reduce_sum3A_3 : vector<1xf32> to vector<1x1x1xf32>
    %reduce_sum3A_5 = vector.extract %reduce_sum3A_4[0, 0, 0] : f32 from vector<1x1x1xf32>
    %get3A_6 = arith.constant 0 : index
    %get3A_7 = arith.constant 0 : index
    %get3A_8 = memref.load %arg2[%get3A_6, %get3A_7] : memref<1x1xf32, #tpu.memory_space<smem>>
    %sub3A = arith.subf %reduce_sum3A_5, %get3A_8 : f32
    %mul3A = arith.constant 0.899999976 : f32
    %mul3A_9 = arith.mulf %mul3A, %sub3A : f32
    %get3A_10 = arith.constant 0 : index
    %get3A_11 = arith.constant 0 : index
    %get3A_12 = memref.load %arg1[%get3A_10, %get3A_11] : memref<1x1xf32, #tpu.memory_space<smem>>
    %mul3A_13 = arith.constant 1.000000e-01 : f32
    %mul3A_14 = arith.mulf %mul3A_13, %get3A_12 : f32
    %add3A = arith.addf %mul3A_9, %mul3A_14 : f32
    %neg3A = arith.constant 0.000000e+00 : f32
    %neg3A_15 = arith.subf %neg3A, %add3A : f32
    %div3A = arith.constant 1.638400e+04 : f32
    %div3A_16 = arith.divf %neg3A_15, %div3A : f32
    %swap3A = arith.constant 0 : index
    %swap3A_17 = arith.constant 0 : index
    %swap3A_18 = memref.load %arg3[%swap3A, %swap3A_17] : memref<1x1xf32, #tpu.memory_space<smem>>
    memref.store %div3A_16, %arg3[%swap3A, %swap3A_17] : memref<1x1xf32, #tpu.memory_space<smem>>
    return
  }
}

module attributes {stable_mosaic.version = 14 : i64} {
  func.func @_tc_stats_body(%arg0: i32, %arg1: memref<2048x128xf32, #tpu.memory_space<vmem>>, %arg2: memref<1x1xf32, #tpu.memory_space<smem>>, %arg3: memref<1x1xf32, #tpu.memory_space<smem>>) attributes {dimension_semantics = [#tpu.dimension_semantics<arbitrary>], iteration_bounds = array<i64: 8>, scalar_prefetch = 0 : i64, scratch_operands = 0 : i64, tpu.core_type = #tpu.core_type<tc>, window_params = [{transform_indices = @transform_0, window_bounds = array<i64: 2048, 128>}, {transform_indices = @transform_1, window_bounds = array<i64: 1, 1>}, {transform_indices = @transform_2, window_bounds = array<i64: 1, 1>}]} {
    %get3A = arith.constant 0 : index
    %get3A_0 = arith.constant 0 : index
    %get3A_1 = vector.load %arg1[%get3A, %get3A_0] : memref<2048x128xf32, #tpu.memory_space<vmem>>, vector<2048x128xf32>
    %exp3A = math.exp %get3A_1 : vector<2048x128xf32>
    %broadcast_in_dim3A = arith.constant 1.000000e+00 : f32
    %broadcast_in_dim3A_2 = vector.broadcast %broadcast_in_dim3A : f32 to vector<128x1xf32>
    %dot_general3A = arith.constant dense<0.000000e+00> : vector<2048x1xf32>
    %dot_general3A_3 = tpu.matmul %exp3A, %broadcast_in_dim3A_2, %dot_general3A {dimension_numbers = #tpu.dot_dimension_numbers<[1], [0], [0], [1], [0, 0, 1, 1], [], []>, transpose_lhs_hint = false} : vector<2048x128xf32>, vector<128x1xf32>, vector<2048x1xf32> -> vector<2048x1xf32>
    %mul3A = arith.mulf %get3A_1, %exp3A : vector<2048x128xf32>
    %dot_general3A_4 = arith.constant dense<0.000000e+00> : vector<2048x1xf32>
    %dot_general3A_5 = tpu.matmul %mul3A, %broadcast_in_dim3A_2, %dot_general3A_4 {dimension_numbers = #tpu.dot_dimension_numbers<[1], [0], [0], [1], [0, 0, 1, 1], [], []>, transpose_lhs_hint = false} : vector<2048x128xf32>, vector<128x1xf32>, vector<2048x1xf32> -> vector<2048x1xf32>
    %log3A = math.log %dot_general3A_3 : vector<2048x1xf32>
    %reduce_sum3A = vector.shape_cast %log3A : vector<2048x1xf32> to vector<1x2048x1xf32>
    %reduce_sum3A_6 = arith.constant dense<0.000000e+00> : vector<1xf32>
    %reduce_sum3A_7 = vector.multi_reduction <add>, %reduce_sum3A, %reduce_sum3A_6 [1, 2] : vector<1x2048x1xf32> to vector<1xf32>
    %reduce_sum3A_8 = vector.shape_cast %reduce_sum3A_7 : vector<1xf32> to vector<1x1x1xf32>
    %reduce_sum3A_9 = vector.extract %reduce_sum3A_8[0, 0, 0] : f32 from vector<1x1x1xf32>
    %div3A = arith.constant 1.000000e+00 : f32
    %div3A_10 = vector.broadcast %div3A : f32 to vector<2048x1xf32>
    %div3A_11 = arith.divf %div3A_10, %dot_general3A_3 : vector<2048x1xf32>
    %mul3A_12 = arith.mulf %dot_general3A_5, %div3A_11 : vector<2048x1xf32>
    %reduce_sum3A_13 = vector.shape_cast %mul3A_12 : vector<2048x1xf32> to vector<1x2048x1xf32>
    %reduce_sum3A_14 = arith.constant dense<0.000000e+00> : vector<1xf32>
    %reduce_sum3A_15 = vector.multi_reduction <add>, %reduce_sum3A_13, %reduce_sum3A_14 [1, 2] : vector<1x2048x1xf32> to vector<1xf32>
    %reduce_sum3A_16 = vector.shape_cast %reduce_sum3A_15 : vector<1xf32> to vector<1x1x1xf32>
    %reduce_sum3A_17 = vector.extract %reduce_sum3A_16[0, 0, 0] : f32 from vector<1x1x1xf32>
    %sub3A = arith.subf %reduce_sum3A_17, %reduce_sum3A_9 : f32
    %eq3A = arith.constant 0 : i32
    %eq3A_18 = arith.cmpi eq, %arg0, %eq3A : i32
    %convert_element_type3A = arith.extui %eq3A_18 : i1 to i32
    %cond3A = arith.constant 0 : i32
    %cond3A_19 = arith.cmpi ne, %convert_element_type3A, %cond3A : i32
    scf.if %cond3A_19 {
      %swap3A_32 = arith.constant 0.000000e+00 : f32
      %swap3A_33 = arith.constant 0 : index
      %swap3A_34 = arith.constant 0 : index
      %swap3A_35 = memref.load %arg2[%swap3A_33, %swap3A_34] : memref<1x1xf32, #tpu.memory_space<smem>>
      memref.store %swap3A_32, %arg2[%swap3A_33, %swap3A_34] : memref<1x1xf32, #tpu.memory_space<smem>>
      %swap3A_36 = arith.constant 0.000000e+00 : f32
      %swap3A_37 = arith.constant 0 : index
      %swap3A_38 = arith.constant 0 : index
      %swap3A_39 = memref.load %arg3[%swap3A_37, %swap3A_38] : memref<1x1xf32, #tpu.memory_space<smem>>
      memref.store %swap3A_36, %arg3[%swap3A_37, %swap3A_38] : memref<1x1xf32, #tpu.memory_space<smem>>
    } else {
    }
    %get3A_20 = arith.constant 0 : index
    %get3A_21 = arith.constant 0 : index
    %get3A_22 = memref.load %arg2[%get3A_20, %get3A_21] : memref<1x1xf32, #tpu.memory_space<smem>>
    %add3A = arith.addf %get3A_22, %sub3A : f32
    %swap3A = arith.constant 0 : index
    %swap3A_23 = arith.constant 0 : index
    %swap3A_24 = memref.load %arg2[%swap3A, %swap3A_23] : memref<1x1xf32, #tpu.memory_space<smem>>
    memref.store %add3A, %arg2[%swap3A, %swap3A_23] : memref<1x1xf32, #tpu.memory_space<smem>>
    %get3A_25 = arith.constant 0 : index
    %get3A_26 = arith.constant 0 : index
    %get3A_27 = memref.load %arg3[%get3A_25, %get3A_26] : memref<1x1xf32, #tpu.memory_space<smem>>
    %add3A_28 = arith.addf %get3A_27, %reduce_sum3A_9 : f32
    %swap3A_29 = arith.constant 0 : index
    %swap3A_30 = arith.constant 0 : index
    %swap3A_31 = memref.load %arg3[%swap3A_29, %swap3A_30] : memref<1x1xf32, #tpu.memory_space<smem>>
    memref.store %add3A_28, %arg3[%swap3A_29, %swap3A_30] : memref<1x1xf32, #tpu.memory_space<smem>>
    return
  }
  func.func @transform_0(%arg0: i32) -> (i32, i32) {
    %c0_i32 = arith.constant 0 : i32
    %c0_i32_0 = arith.constant 0 : i32
    return %arg0, %c0_i32 : i32, i32
  }
  func.func @transform_1(%arg0: i32) -> (i32, i32) {
    %c0_i32 = arith.constant 0 : i32
    %c0_i32_0 = arith.constant 0 : i32
    %c0_i32_1 = arith.constant 0 : i32
    return %c0_i32, %c0_i32_0 : i32, i32
  }
  func.func @transform_2(%arg0: i32) -> (i32, i32) {
    %c0_i32 = arith.constant 0 : i32
    %c0_i32_0 = arith.constant 0 : i32
    %c0_i32_1 = arith.constant 0 : i32
    return %c0_i32, %c0_i32_0 : i32, i32
  }
}

</mosaic_0001>

<sc_bundles>
// kernel: kernel.5.cloned.1.call-start
scs
__scs_entry_jumppad:
0x0: {  	(pc) =	sbr.rel $0x88, $3  }
0x1: {  	(tag) =	ssettag $0x0;
	lr =	simm.s32 $0x1  }
0x2: {  	[smem:$0x3F9E] =	sst lr;
	_ =	strace $0xD0000000  }
0x3: {  	_ = 	snop  }
0x4: {  	_ = 	snop  }
0x5: {  	_ = 	snop  }
0x6: {  	_ = 	snop  }
0x7: {  	_ = 	snop  }
__scs_overlays_trampoline_lowered:
0x8: {  	[smem:$0x3FAD] =	sst s0  }
0x9: {  	[smem:$0x3FAE] =	sst s1  }
0xa: {  	[smem:$0x3FAF] =	sst s2  }
0xb: {  	[smem:$0x3FB0] =	sst s3  }
0xc: {  	[smem:$0x3FB1] =	sst s4  }
0xd: {  	[smem:$0x3FB2] =	sst s5  }
0xe: {  	[smem:$0x3FB3] =	sst s6  }
0xf: {  	[smem:$0x3FB4] =	sst s7  }
0x10: {  	[smem:$0x3FB5] =	sst s8  }
0x11: {  	[smem:$0x3FB6] =	sst s9;
	s0 =	simm.s32 @!p0 $0x0  }
0x12: {  	s1 =	sld [smem:$0x3F9C];
	s0 =	simm.s32 @p0 $0x1  }
0x13: {  	[smem:$0x3FB7] =	sst s0;
	s0 =	simm.s32 @!p1 $0x0  }
0x14: {  	s2 =	sld [smem:$0x3F9B];
	s0 =	simm.s32 @p1 $0x1  }
0x15: {  	[smem:$0x3FB8] =	sst s0;
	s0 =	simm.s32 @!p2 $0x0  }
0x16: {  	s3 =	sld [smem:$0x3FDB];
	s0 =	simm.s32 @p2 $0x1  }
0x17: {  	s4 =	simm.s32 $0x1BF5;
	[smem:$0x3FBA] =	sst s0  }
0x18: {  	s0 =	sld [smem:$0x3F9D];
	_ =	swait.ge [sflag:s4], $0x0  }
0x19: {  	s7 =	sld [smem:$0x3F9E]  }
0x1a: {  	s8 =	sadd.s32 $0xFFFFE003, lr  }
0x1b: {  	s9 =	sadd.s32 $0xFFFFFEF7, lr;
	s5 =	simm.s32 $0xFFFFFFFF;
	p2 =	slt.u32 s8, $0xFFFFF086  }
0x1c: {  	p1 =	slt.u32 s9, $0xF7A;
	s5 =	simm.s32 @!p2 $0x0  }
0x1d: {  	s5 =	simm.s32 @p1 $0x1;
	p0 =	seq.s32 s7, s2  }
0x1e: {  	s7 =	smul.u32 @!p0 $0xF7A, s2;
	p2 =	seq.s32 @!p0 s5, $0x0  }
0x1f: {  	s9 =	smul.u32 $0xF7A, s1;
	s8 =	simm.s32 @!p0 $0x1BF5;
	p2 =	por !p2, p0  }
0x20: {  	[sflag:s8] =	ssyncset.s32 @!p0 $0xFFFFF086;
	s6 =	sadd.s32 @!p0 s3, s7;
	s7 =	simm.s32 @!p0 $0x108  }
0x21: {  	s3 =	sadd.s32 s3, s9;
	s6 =	sadd.s32 @!p0 $0x88, s6;
	s7 =	simm.s32 @p2 $0x1082  }
0x22: {  	[simem:s7], [sflag:s8] =	dma.local @!p0 [hbm:s6], $0xF7A  }
0x23: {  	s9 =	sor.u32 $0xD0000000, s2;
	s6 =	simm.s32 $0x108;
	_ =	swait.ge @!p0 [sflag:s8], $0x0  }
0x24: {  	s3 =	sadd.s32 $0x88, s3;
	s6 =	simm.s32 @!p1 $0x1082;
	[sflag:s4] =	ssyncset.s32 $0xFFFFF086  }
0x25: {  	[simem:s6], [sflag:s4] =	dma.local [hbm:s3], $0xF7A  }
0x26: {  	[smem:$0x3F9E] =	sst s1;
	(tag) =	ssettag s2;
	_ =	strace s9  }
0x27: {  	s1 =	sld [smem:$0x3FAE]  }
0x28: {  	s2 =	sld [smem:$0x3FAF]  }
0x29: {  	s4 =	sld [smem:$0x3FB1]  }
0x2a: {  	p0 =	seq.s32 s5, $0x0;
	s5 =	sld [smem:$0x3FB2]  }
0x2b: {  	s6 =	sld [smem:$0x3FB3]  }
0x2c: {  	s7 =	sld [smem:$0x3FB4]  }
0x2d: {  	s3 =	simm.s32 $0x108;
	s8 =	sld [smem:$0x3FB5]  }
0x2e: {  	s3 =	simm.s32 @!p0 $0x1082;
	s9 =	sld [smem:$0x3FB6]  }
0x2f: {  	lr =	sadd.s32 s0, s3;
	s0 =	sld [smem:$0x3FAD]  }
0x30: {  	s3 =	sld [smem:$0x3FB0]  }
0x31: {  	[smem:$0x3FB9] =	sst s10  }
0x32: {  	s10 =	sld [smem:$0x3FB7];
	_ =	sdelay $0x3  }
0x33: {  	p0 =	seq.s32 s10, $0x1;
	s10 =	sld [smem:$0x3FB9];
	_ =	sdelay $0x3  }
0x34: {  	[smem:$0x3FB9] =	sst s10  }
0x35: {  	s10 =	sld [smem:$0x3FB8];
	_ =	sdelay $0x3  }
0x36: {  	p1 =	seq.s32 s10, $0x1;
	s10 =	sld [smem:$0x3FB9];
	_ =	sdelay $0x3  }
0x37: {  	[smem:$0x3FB9] =	sst s10  }
0x38: {  	s10 =	sld [smem:$0x3FBA]  }
0x39: {  	_ = 	snop;
	(pc) =	sbr.ind lr, $3  }
0x3a: {  	_ = 	snop  }
0x3b: {  	_ = 	snop  }
0x3c: {  	p2 =	seq.s32 s10, $0x1;
	s10 =	sld [smem:$0x3FB9]  }
0x3d: {  	_ =	shalt  }
0x3e: {  	_ =	shalt  }
0x3f: {  	_ =	shalt  }
0x40: {  	_ =	shalt  }
0x41: {  	_ =	shalt  }
0x42: {  	_ =	shalt  }
0x43: {  	_ =	shalt  }
0x44: {  	_ =	shalt  }
0x45: {  	_ =	shalt  }
0x46: {  	_ =	shalt  }
0x47: {  	_ =	shalt  }
0x48: {  	_ =	shalt  }
0x49: {  	_ =	shalt  }
0x4a: {  	_ =	shalt  }
0x4b: {  	_ =	shalt  }
0x4c: {  	_ =	shalt  }
0x4d: {  	_ =	shalt  }
0x4e: {  	_ =	shalt  }
0x4f: {  	_ =	shalt  }
0x50: {  	_ =	shalt  }
0x51: {  	_ =	shalt  }
0x52: {  	_ =	shalt  }
0x53: {  	_ =	shalt  }
0x54: {  	_ =	shalt  }
0x55: {  	_ =	shalt  }
0x56: {  	_ =	shalt  }
0x57: {  	_ =	shalt  }
0x58: {  	_ =	shalt  }
0x59: {  	_ =	shalt  }
0x5a: {  	_ =	shalt  }
0x5b: {  	_ =	shalt  }
0x5c: {  	_ =	shalt  }
0x5d: {  	_ =	shalt  }
0x5e: {  	_ =	shalt  }
0x5f: {  	_ =	shalt  }
0x60: {  	_ =	shalt  }
0x61: {  	_ =	shalt  }
0x62: {  	_ =	shalt  }
0x63: {  	_ =	shalt  }
0x64: {  	_ =	shalt  }
0x65: {  	_ =	shalt  }
0x66: {  	_ =	shalt  }
0x67: {  	_ =	shalt  }
0x68: {  	_ =	shalt  }
0x69: {  	_ =	shalt  }
0x6a: {  	_ =	shalt  }
0x6b: {  	_ =	shalt  }
0x6c: {  	_ =	shalt  }
0x6d: {  	_ =	shalt  }
0x6e: {  	_ =	shalt  }
0x6f: {  	_ =	shalt  }
0x70: {  	_ =	shalt  }
0x71: {  	_ =	shalt  }
0x72: {  	_ =	shalt  }
0x73: {  	_ =	shalt  }
0x74: {  	_ =	shalt  }
0x75: {  	_ =	shalt  }
0x76: {  	_ =	shalt  }
0x77: {  	_ =	shalt  }
0x78: {  	_ =	shalt  }
0x79: {  	_ =	shalt  }
0x7a: {  	_ =	shalt  }
0x7b: {  	_ =	shalt  }
0x7c: {  	_ =	shalt  }
0x7d: {  	_ =	shalt  }
0x7e: {  	_ =	shalt  }
0x7f: {  	_ =	shalt  }
0x80: {  	_ =	shalt  }
0x81: {  	_ =	shalt  }
0x82: {  	_ =	shalt  }
0x83: {  	_ =	shalt  }
0x84: {  	_ =	shalt  }
0x85: {  	_ =	shalt  }
0x86: {  	_ =	shalt  }
0x87: {  	_ =	shalt  }
.Lfunc_end0:
.L_simem_size_0:
called_computation_lowered:
.L_overlay_start_0:
0x88: {  	s2 =	sld [smem:$0x3FD9]  }
0x89: {  	s3 =	sld [smem:$0x3FFE];
	_ =	sdelay $0x1  }
0x8a: {  	s1 =	srdreg.scid  }
0x8b: {  	s0 =	sand.u32 $0x1, s1  }
0x8c: {  	s17 =	sshll.u32 s0, $0xA;
	s2 =	sadd.s32 s3, s2  }
0x8d: {  	s2 =	sadd.s32 s2, s17  }
0x8e: {  	[smem:$0x3FC5] =	sst s2  }
0x8f: {  	_ = 	snop  }
0x90: {  	s2 =	sld [smem:$0x3FC9]  }
0x91: {  	s18 =	sld [smem:$0x3FC8]  }
0x92: {  	s4 =	sld [smem:$0x3FC7];
	(tm) =	ssettm $0x1  }
0x93: {  	s5 =	sld [smem:$0x3FFB];
	_ =	sdelay $0x3  }
0x94: {  	_ =	strace s5  }
0x95: {  	s5 =	sld [smem:$0x3FFC];
	_ =	sdelay $0x3  }
0x96: {  	_ =	strace s5  }
0x97: {  	s5 =	sld [smem:$0x3FFD];
	_ =	sdelay $0x3  }
0x98: {  	_ =	strace s5  }
0x99: {  	_ =	strace $0x8FFFFFFF  }
0x9a: {  	s19 =	sld [smem:$0x3FDB];
	_ =	sdelay $0x1  }
0x9b: {  	s6 =	simm.s32 $_scs_section_size  }
0x9c: {  	s7 =	simm.s32 $_size__tile_overlayer_lowered;
	s8 =	simm.s32 $_tile_overlayer_lowered  }
0x9d: {  	s22 =	simm.s32 $0x1BFF;
	s21 =	sshll.u32 s8, $0x1;
	s5 =	sadd.s32 s6, s19  }
0x9e: {  	s9 =	simm.s32 $0x0;
	s20 =	sshll.u32 s7, $0x1;
	s7 =	sadd.s32 s21, s5  }
0x9f: {  	[timem:s9], [sflag:s22] =	dma.local [hbm:s7], s20  }
0xa0: {  	_ =	swait.ge [sflag:s22], s20  }
0xa1: {  	s6 =	ssub.s32 $0x0, s20;
	[sflag:s22] =	ssyncset.done $0x0  }
0xa2: {  	[sflag:s22] =	ssyncadd.s32 s6;
	_ =	sdelay $0x1  }
0xa3: {  	s23 =	simm.s32 $0x1B8B  }
0xa4: {  	_ =	swait.ge [sflag:s23], $0x1  }
0xa5: {  	[sflag:s23] =	ssyncset.done $0x0  }
0xa6: {  	s25 =	simm.s32 $0x1B8E;
	s24 =	sld [smem:$0x3FFE];
	[sflag:s23] =	ssyncadd.s32 $0xFFFFFFFF  }
0xa7: {  	s26 =	simm.s32 $execute0_lowered;
	[smem:$0x3FD2] =	sst s25  }
0xa8: {  	s7 =	sshll.u32 s26, $0x1;
	_ =	strace $0x80000046;
	[dreg:$0x1] =	wrdreg $0xFFFFFFFF  }
0xa9: {  	s28 =	simm.s32 $_size_execute0_lowered;
	s5 =	sadd.s32 s5, s7;
	[dreg:$0x0] =	wrdreg $0x0  }
0xaa: {  	s7 =	sshll.u32 s28, $0x1;
	[dreg:$0x2] =	wrdreg s5  }
0xab: {  	[dreg:$0x3] =	wrdreg s7  }
0xac: {  	[dreg:$0x4] =	wrdreg $0xC0  }
0xad: {  	_ =	task [dreg:s9], $0x5FFFF  }
0xae: {  	[dreg:$0x1] =	wrdreg $0xFFFFFFFF  }
0xaf: {  	[dreg:$0x0] =	wrdreg $0x60  }
0xb0: {  	[dreg:$0x2] =	wrdreg s18  }
0xb1: {  	[dreg:$0x3] =	wrdreg s2  }
0xb2: {  	[dreg:$0x4] =	wrdreg s4  }
0xb3: {  	[dreg:$0x5] =	wrdreg s24  }
0xb4: {  	[dreg:$0x6] =	wrdreg $0x9  }
0xb5: {  	_ =	task.clear_ibuf [dreg:s9], $0x7FFFF;
	_ =	strace $0x90000046  }
0xb6: {  	s29 =	simm.s32 $0x9;
	_ =	strace $0x80000048  }
0xb7: {  	_ =	swait.ge [sflag:s29], $0x1  }
0xb8: {  	[sflag:s29] =	ssyncadd.s32 $0xFFFFFFFF  }
0xb9: {  	_ =	strace $0x90000048  }
0xba: {  	_ =	sfence  }
0xbb: {  	s30 =	sld [smem:$0x0];
	_ =	sdelay $0x2  }
0xbc: {  	s31 =	sshll.u32 s1, $0xD;
	s1 =	sshrl.u32 s1, $0x2  }
0xbd: {  	s3 =	sand.u32 $0x4000, s31;
	s1 =	sadd.s32 s1, s30  }
0xbe: {  	s0 =	sor.u32 s3, s0;
	s1 =	sshll.u32 s1, $0x11  }
0xbf: {  	s0 =	sor.u32 s1, s0  }
0xc0: {  	s0 =	sadd.s32 $0x8F2B, s0  }
0xc1: {  	[sflag:s0] =	ssyncadd.remote.s32 $0x1  }
0xc2: {  	_ =	sfence.sel $0xFFFF  }
0xc3: {  	[dreg:$0x0] =	wrdreg $0xFFFFFFFF;
	(pc) =	sbr.abs _section_cstart, $3  }
0xc4: {  	[dreg:$0x1] =	wrdreg $0xFFFFFFFF  }
0xc5: {  	_ =	task.clear_ibuf [dreg:s9], $0x2FFFF;
	_ =	strace $0x9FFFFFFF  }
0xc6: {  	(tm) =	ssettm $0x7FFFFFFF  }
0xc7: {  	_ =	shalt  }
tec
execute0_lowered:
.L_overlay_start_1:
0x0: {  	(tag) =	ssettag $0x1  }
0x1: {  	s1 =	rddreg [dreg:$0x0]  }
0x2: {  	s4 =	rddreg [dreg:$0x1]  }
0x3: {  	s5 =	rddreg [dreg:$0x2]  }
0x4: {  	s6 =	rddreg [dreg:$0x3]  }
0x5: {  	s0 =	rddreg [dreg:$0x4];
	s7 =	srdreg.scid  }
0x6: {  	s2 =	stileid.u32;
	s3 =	simm.s32 $0x0;
	s12 =	simm.s32 $0x200  }
0x7: {  	s13 =	simm.s32 $0x80;
	s14 =	simm.s32 $0x8200;
	s15 =	simm.s32 $0x4200  }
0x8: {  	s16 =	simm.s32 $0xC200;
	s17 =	simm.s32 $0x1;
	s18 =	simm.s32 $0x100  }
0x9: {  	s19 =	simm.s32 $0x2;
	s20 =	simm.s32 $0x180;
	s21 =	simm.s32 $0x10200  }
0xa: {  	s22 =	simm.s32 $0x0;
	s7 =	sand.u32 $0x1, s7;
	s8 =	sshll.u32 s2, $0x1  }
0xb: {  	[smem:$0x7FF] =	sst s3;
	s8 =	sor.u32 s7, s8;
	s7 =	ssub.s32 $0x2, s7  }
0xc: {  	_ =	strace $0x80000047;
	s9 =	sshll.u32 s8, $0x4;
	s30 =	sshrl.u32 s7, $0x1  }
0xd: {  	s10 =	sshll.u32 s8, $0xD;
	s31 =	sshll.u32 s8, $0x6;
	s9 =	sadd.s32 s9, s6  }
0xe: {  	s11 =	ssub.s32 s7, s30;
	s4 =	sadd.s32 s4, s10;
	s5 =	sadd.s32 s5, s31  }
0xf: {  	s6 =	sadd.s32 $0x800, s4;
	s7 =	sadd.s32 $0x1000, s4;
	s8 =	sadd.s32 $0x1800, s4  }
0x10: {  	s9 =	sadd.s32 $0xA00, s9;
	s10 =	smax.u32 s11, $0x1;
	s11 =	simm.s32 $0x3  }
.LBB2_1:
0x11: {  	[tilespmem:s3], [sflag:$0x3] =	stream.linear.gather [hbm4b:s5+s3], $0x200, $0x38;
	[tilespmem:$0x10280] =	vst v63  }
0x12: {  	_ =	swait.ge [sflag:s11], $0x200  }
0x13: {  	[sflag:s11] =	ssyncset.done $0x0  }
0x14: {  	[sflag:s11] =	ssyncadd.s32 $0xFFFFFE00  }
0x15: {  	[tilespmem:s12], [sflag:$0x1] =	stream.linear.gather [hbm4b:s4+s3], $0x4000, $0x38;
	[tilespmem:$0x10280] =	vst v63  }
0x16: {  	_ = 	snop  }
0x17: {  	[tilespmem:s14], [sflag:$0x1] =	stream.indirect.gather [hbm4b:s1+s13], $0x80, s3, s13, $0xb8;
	[tilespmem:$0x10280] =	vst v63  }
0x18: {  	_ = 	snop  }
0x19: {  	[tilespmem:s15], [sflag:$0x2] =	stream.linear.gather [hbm4b:s6+s3], $0x4000, $0x38;
	[tilespmem:$0x10280] =	vst v63  }
0x1a: {  	_ = 	snop  }
0x1b: {  	[tilespmem:s16], [sflag:$0x2] =	stream.indirect.gather [hbm4b:s1+s13], $0x80, s13, s13, $0xb8;
	[tilespmem:$0x10280] =	vst v63  }
0x1c: {  	_ =	swait.ge [sflag:s17], $0x4000  }
0x1d: {  	[sflag:s17] =	ssyncset.done $0x0  }
0x1e: {  	[sflag:s17] =	ssyncadd.s32 $0xFFFFC000  }
0x1f: {  	_ =	swait.ge [sflag:s17], $0x4000  }
0x20: {  	[sflag:s17] =	ssyncset.done $0x0  }
0x21: {  	s24 =	simm.s32 $0x0;
	[sflag:s17] =	ssyncadd.s32 $0xFFFFC000  }
0x22: {  	v0 =	vld [tilespmem:s24+$0x200]  }
0x23: {  	v1 =	vld [tilespmem:s24+$0x8200]  }
0x24: {  	v2 =	vld [tilespmem:s24+$0x210]  }
0x25: {  	v3 =	vld [tilespmem:s24+$0x8210]  }
0x26: {  	v4 =	vld [tilespmem:s24+$0x220]  }
0x27: {  	v5 =	vld [tilespmem:s24+$0x8220]  }
0x28: {  	v7 =	vld [tilespmem:s24+$0x8230];
	v0 =	vmul.f32 v1, v0  }
0x29: {  	v6 =	vimm.f32 $0.0e+00;
	v1 =	vld [tilespmem:s24+$0x230]  }
0x2a: {  	v8 =	vld [tilespmem:s24+$0x8240];
	v2 =	vmul.f32 v3, v2;
	v0 =	vadd.f32 v0, v6  }
0x2b: {  	v6 =	vld [tilespmem:s24+$0x240]  }
0x2c: {  	v9 =	vld [tilespmem:s24+$0x250];
	v0 =	vadd.f32 v2, v0;
	v2 =	vmul.f32 v5, v4  }
0x2d: {  	v10 =	vld [tilespmem:s24+$0x8250]  }
0x2e: {  	v3 =	vld [tilespmem:s24+$0x8260];
	v1 =	vmul.f32 v7, v1;
	v2 =	vadd.f32 v2, v0  }
0x2f: {  	v0 =	vld [tilespmem:s24+$0x260]  }
0x30: {  	v4 =	vld [tilespmem:s24+$0x8270];
	v6 =	vmul.f32 v8, v6;
	v5 =	vadd.f32 v1, v2  }
0x31: {  	s23 =	simm.s32 $0x80;
	v1 =	vld [tilespmem:s24+$0x270]  }
0x32: {  	v2 =	vld [tilespmem:s23+$0x200];
	s24 =	simm.s32 $0x400;
	v5 =	vadd.f32 v6, v5;
	v6 =	vmul.f32 v10, v9  }
.LBB2_2:
0x33: {  	p0 =	sne.s32 s24, $0xFE00;
	v7 =	vld [tilespmem:s23+$0x8200]  }
0x34: {  	v8 =	vld [tilespmem:s23+$0x210];
	v5 =	vadd.f32 v6, v5;
	v0 =	vmul.f32 v3, v0  }
0x35: {  	v3 =	vld [tilespmem:s23+$0x8210]  }
0x36: {  	v6 =	vld [tilespmem:s23+$0x220];
	v0 =	vadd.f32 v0, v5;
	v1 =	vmul.f32 v4, v1  }
0x37: {  	v4 =	vld [tilespmem:s23+$0x8220]  }
0x38: {  	v2 =	vmul.f32 v7, v2;
	v5 =	vld [tilespmem:s23+$0x230];
	v0 =	vadd.f32 v1, v0  }
0x39: {  	v1 =	vld [tilespmem:s23+$0x8230]  }
0x3a: {  	v0 =	vadd.f32 v2, v0;
	v2 =	vmul.f32 v3, v8;
	v7 =	vld [tilespmem:s23+$0x240]  }
0x3b: {  	v8 =	vld [tilespmem:s23+$0x8240]  }
0x3c: {  	v0 =	vadd.f32 v2, v0;
	v2 =	vmul.f32 v4, v6;
	v6 =	vld [tilespmem:s23+$0x250]  }
0x3d: {  	v9 =	vld [tilespmem:s23+$0x8250]  }
.Ltmp0:
0x3e: {  	v2 =	vadd.f32 v2, v0;
	v1 =	vmul.f32 v1, v5;
	v0 =	vld [tilespmem:s23+$0x260];
	(pc) =	sbr.rel @p0 .LBB2_2-.Ltmp0, $4  }
0x3f: {  	v3 =	vld [tilespmem:s23+$0x8260]  }
0x40: {  	v5 =	vadd.f32 v1, v2;
	v7 =	vmul.f32 v8, v7;
	v1 =	vld [tilespmem:s23+$0x270]  }
0x41: {  	v4 =	vld [tilespmem:s23+$0x8270];
	s23 =	sshra.s32 s24, $0x2  }
0x42: {  	s24 =	sadd.s32 $0x200, s24;
	v2 =	vld [tilespmem:s23+$0x200];
	v5 =	vadd.f32 v7, v5;
	v6 =	vmul.f32 v9, v6  }
0x43: {  	v7 =	vld [tilespmem:s23+$0x8200]  }
0x44: {  	v8 =	vld [tilespmem:s23+$0x210]  }
0x45: {  	v9 =	vld [tilespmem:s23+$0x8210]  }
0x46: {  	v10 =	vld [tilespmem:s23+$0x220]  }
0x47: {  	v11 =	vld [tilespmem:s23+$0x8220]  }
0x48: {  	v12 =	vld [tilespmem:s23+$0x230]  }
0x49: {  	v13 =	vld [tilespmem:s23+$0x8230]  }
0x4a: {  	v14 =	vld [tilespmem:s23+$0x240]  }
0x4b: {  	v15 =	vld [tilespmem:s23+$0x8240]  }
0x4c: {  	v16 =	vld [tilespmem:s23+$0x250];
	v5 =	vadd.f32 v6, v5;
	v0 =	vmul.f32 v3, v0  }
0x4d: {  	v3 =	vld [tilespmem:s23+$0x8250]  }
0x4e: {  	v6 =	vld [tilespmem:s23+$0x260];
	v0 =	vadd.f32 v0, v5;
	v1 =	vmul.f32 v4, v1  }
0x4f: {  	v4 =	vld [tilespmem:s23+$0x8260]  }
0x50: {  	s31 =	simm.s32 $0x0;
	v5 =	vld [tilespmem:s23+$0x270];
	v2 =	vmul.f32 v7, v2;
	v0 =	vadd.f32 v1, v0  }
0x51: {  	v1 =	vld [tilespmem:s23+$0x8270];
	[tilespmem:s12], [sflag:$0x1] =	stream.linear.gather [hbm4b:s7+s31], $0x4000, $0x38  }
0x52: {  	v0 =	vadd.f32 v2, v0;
	v2 =	vmul.f32 v9, v8  }
0x53: {  	[tilespmem:s14], [sflag:$0x1] =	stream.indirect.gather [hbm4b:s1+s13], $0x80, s18, s13, $0xb8;
	[tilespmem:$0x10280] =	vst v63  }
0x54: {  	_ =	swait.ge [sflag:s19], $0x4000;
	v0 =	vadd.f32 v2, v0;
	v2 =	vmul.f32 v11, v10  }
0x55: {  	[sflag:s19] =	ssyncset.done $0x0  }
0x56: {  	[sflag:s19] =	ssyncadd.s32 $0xFFFFC000;
	v0 =	vadd.f32 v2, v0;
	v2 =	vmul.f32 v13, v12  }
0x57: {  	_ =	swait.ge [sflag:s19], $0x4000  }
0x58: {  	[sflag:s19] =	ssyncset.done $0x0;
	v0 =	vadd.f32 v2, v0;
	v2 =	vmul.f32 v15, v14  }
0x59: {  	s24 =	simm.s32 $0x0;
	[sflag:s19] =	ssyncadd.s32 $0xFFFFC000  }
0x5a: {  	v7 =	vld [tilespmem:s24+$0xC200];
	v0 =	vadd.f32 v2, v0;
	v2 =	vmul.f32 v3, v16  }
0x5b: {  	v3 =	vld [tilespmem:s24+$0x4200]  }
0x5c: {  	v0 =	vadd.f32 v2, v0;
	v2 =	vmul.f32 v4, v6;
	v4 =	vld [tilespmem:s24+$0x4210]  }
0x5d: {  	v6 =	vld [tilespmem:s24+$0xC210]  }
0x5e: {  	v1 =	vmul.f32 v1, v5;
	v5 =	vld [tilespmem:s24+$0xC220];
	v0 =	vadd.f32 v2, v0  }
0x5f: {  	v2 =	vld [tilespmem:s24+$0x4220]  }
0x60: {  	v0 =	vadd.f32 v1, v0;
	v1 =	vmul.f32 v7, v3;
	v3 =	vld [tilespmem:s24+$0x4230]  }
0x61: {  	v7 =	vld [tilespmem:s24+$0xC230]  }
0x62: {  	v0 =	vadd.f32 v1, v0;
	v1 =	vmul.f32 v6, v4;
	v4 =	vld [tilespmem:s24+$0x4240]  }
0x63: {  	v6 =	vld [tilespmem:s24+$0xC240]  }
0x64: {  	v8 =	vld [tilespmem:s24+$0x4250];
	v0 =	vadd.f32 v1, v0;
	v1 =	vmul.f32 v5, v2  }
0x65: {  	v63 =	vld [tilespmem:s24+$0xC250]  }
0x66: {  	v2 =	vmul.f32 v7, v3;
	v3 =	vld [tilespmem:s24+$0xC260];
	v1 =	vadd.f32 v1, v0  }
0x67: {  	v0 =	vld [tilespmem:s24+$0x4260]  }
0x68: {  	v6 =	vmul.f32 v6, v4;
	v4 =	vld [tilespmem:s24+$0xC270];
	v5 =	vadd.f32 v2, v1  }
0x69: {  	s23 =	simm.s32 $0x80;
	v1 =	vld [tilespmem:s24+$0x4270]  }
0x6a: {  	v2 =	vld [tilespmem:s23+$0x4200];
	s24 =	simm.s32 $0x400;
	v5 =	vadd.f32 v6, v5;
	v6 =	vmul.f32 v63, v8  }
.LBB2_4:
0x6b: {  	p0 =	sne.s32 s24, $0xFE00;
	v7 =	vld [tilespmem:s23+$0xC200]  }
0x6c: {  	v8 =	vld [tilespmem:s23+$0x4210];
	v5 =	vadd.f32 v6, v5;
	v0 =	vmul.f32 v3, v0  }
0x6d: {  	v3 =	vld [tilespmem:s23+$0xC210]  }
0x6e: {  	v6 =	vld [tilespmem:s23+$0x4220];
	v0 =	vadd.f32 v0, v5;
	v1 =	vmul.f32 v4, v1  }
0x6f: {  	v4 =	vld [tilespmem:s23+$0xC220]  }
0x70: {  	v2 =	vmul.f32 v7, v2;
	v5 =	vld [tilespmem:s23+$0x4230];
	v0 =	vadd.f32 v1, v0  }
0x71: {  	v1 =	vld [tilespmem:s23+$0xC230]  }
0x72: {  	v0 =	vadd.f32 v2, v0;
	v2 =	vmul.f32 v3, v8;
	v7 =	vld [tilespmem:s23+$0x4240]  }
0x73: {  	v8 =	vld [tilespmem:s23+$0xC240]  }
0x74: {  	v0 =	vadd.f32 v2, v0;
	v2 =	vmul.f32 v4, v6;
	v6 =	vld [tilespmem:s23+$0x4250]  }
0x75: {  	v9 =	vld [tilespmem:s23+$0xC250]  }
.Ltmp1:
0x76: {  	v2 =	vadd.f32 v2, v0;
	v1 =	vmul.f32 v1, v5;
	v0 =	vld [tilespmem:s23+$0x4260];
	(pc) =	sbr.rel @p0 .LBB2_4-.Ltmp1, $4  }
0x77: {  	v3 =	vld [tilespmem:s23+$0xC260]  }
0x78: {  	v5 =	vadd.f32 v1, v2;
	v7 =	vmul.f32 v8, v7;
	v1 =	vld [tilespmem:s23+$0x4270]  }
0x79: {  	v4 =	vld [tilespmem:s23+$0xC270];
	s23 =	sshra.s32 s24, $0x2  }
0x7a: {  	s24 =	sadd.s32 $0x200, s24;
	v2 =	vld [tilespmem:s23+$0x4200];
	v5 =	vadd.f32 v7, v5;
	v6 =	vmul.f32 v9, v6  }
0x7b: {  	v7 =	vld [tilespmem:s23+$0xC200]  }
0x7c: {  	v8 =	vld [tilespmem:s23+$0x4210]  }
0x7d: {  	v9 =	vld [tilespmem:s23+$0xC210]  }
0x7e: {  	v10 =	vld [tilespmem:s23+$0x4220]  }
0x7f: {  	v11 =	vld [tilespmem:s23+$0xC220]  }
0x80: {  	v12 =	vld [tilespmem:s23+$0x4230]  }
0x81: {  	v13 =	vld [tilespmem:s23+$0xC230]  }
0x82: {  	v14 =	vld [tilespmem:s23+$0x4240]  }
0x83: {  	v15 =	vld [tilespmem:s23+$0xC240]  }
0x84: {  	v16 =	vld [tilespmem:s23+$0x4250];
	v5 =	vadd.f32 v6, v5;
	v0 =	vmul.f32 v3, v0  }
0x85: {  	v3 =	vld [tilespmem:s23+$0xC250]  }
0x86: {  	v6 =	vld [tilespmem:s23+$0x4260];
	v0 =	vadd.f32 v0, v5;
	v1 =	vmul.f32 v4, v1  }
0x87: {  	v4 =	vld [tilespmem:s23+$0xC260]  }
0x88: {  	s31 =	simm.s32 $0x0;
	v5 =	vld [tilespmem:s23+$0x4270];
	v2 =	vmul.f32 v7, v2;
	v0 =	vadd.f32 v1, v0  }
0x89: {  	v1 =	vld [tilespmem:s23+$0xC270];
	[tilespmem:s15], [sflag:$0x2] =	stream.linear.gather [hbm4b:s8+s31], $0x4000, $0x38  }
0x8a: {  	v0 =	vadd.f32 v2, v0;
	v2 =	vmul.f32 v9, v8  }
0x8b: {  	[tilespmem:s16], [sflag:$0x2] =	stream.indirect.gather [hbm4b:s1+s13], $0x80, s20, s13, $0xb8;
	[tilespmem:$0x10280] =	vst v63  }
0x8c: {  	_ =	swait.ge [sflag:s17], $0x4000;
	v0 =	vadd.f32 v2, v0;
	v2 =	vmul.f32 v11, v10  }
0x8d: {  	[sflag:s17] =	ssyncset.done $0x0  }
0x8e: {  	[sflag:s17] =	ssyncadd.s32 $0xFFFFC000;
	v0 =	vadd.f32 v2, v0;
	v2 =	vmul.f32 v13, v12  }
0x8f: {  	_ =	swait.ge [sflag:s17], $0x4000  }
0x90: {  	[sflag:s17] =	ssyncset.done $0x0;
	v0 =	vadd.f32 v2, v0;
	v2 =	vmul.f32 v15, v14  }
0x91: {  	s24 =	simm.s32 $0x0;
	[sflag:s17] =	ssyncadd.s32 $0xFFFFC000  }
0x92: {  	v7 =	vld [tilespmem:s24+$0x8200];
	v0 =	vadd.f32 v2, v0;
	v2 =	vmul.f32 v3, v16  }
0x93: {  	v3 =	vld [tilespmem:s24+$0x200]  }
0x94: {  	v0 =	vadd.f32 v2, v0;
	v2 =	vmul.f32 v4, v6;
	v4 =	vld [tilespmem:s24+$0x210]  }
0x95: {  	v6 =	vld [tilespmem:s24+$0x8210]  }
0x96: {  	v1 =	vmul.f32 v1, v5;
	v5 =	vld [tilespmem:s24+$0x8220];
	v0 =	vadd.f32 v2, v0  }
0x97: {  	v2 =	vld [tilespmem:s24+$0x220]  }
0x98: {  	v0 =	vadd.f32 v1, v0;
	v1 =	vmul.f32 v7, v3;
	v3 =	vld [tilespmem:s24+$0x230]  }
0x99: {  	v7 =	vld [tilespmem:s24+$0x8230]  }
0x9a: {  	v0 =	vadd.f32 v1, v0;
	v1 =	vmul.f32 v6, v4;
	v4 =	vld [tilespmem:s24+$0x240]  }
0x9b: {  	v6 =	vld [tilespmem:s24+$0x8240]  }
0x9c: {  	v8 =	vld [tilespmem:s24+$0x250];
	v0 =	vadd.f32 v1, v0;
	v1 =	vmul.f32 v5, v2  }
0x9d: {  	v63 =	vld [tilespmem:s24+$0x8250]  }
0x9e: {  	v2 =	vmul.f32 v7, v3;
	v3 =	vld [tilespmem:s24+$0x8260];
	v1 =	vadd.f32 v1, v0  }
0x9f: {  	v0 =	vld [tilespmem:s24+$0x260]  }
0xa0: {  	v6 =	vmul.f32 v6, v4;
	v4 =	vld [tilespmem:s24+$0x8270];
	v5 =	vadd.f32 v2, v1  }
0xa1: {  	s23 =	simm.s32 $0x80;
	v1 =	vld [tilespmem:s24+$0x270]  }
0xa2: {  	v2 =	vld [tilespmem:s23+$0x200];
	s24 =	simm.s32 $0x400;
	v5 =	vadd.f32 v6, v5;
	v6 =	vmul.f32 v63, v8  }
.LBB2_6:
0xa3: {  	p0 =	sne.s32 s24, $0xFE00;
	v7 =	vld [tilespmem:s23+$0x8200]  }
0xa4: {  	v8 =	vld [tilespmem:s23+$0x210];
	v5 =	vadd.f32 v6, v5;
	v0 =	vmul.f32 v3, v0  }
0xa5: {  	v3 =	vld [tilespmem:s23+$0x8210]  }
0xa6: {  	v6 =	vld [tilespmem:s23+$0x220];
	v0 =	vadd.f32 v0, v5;
	v1 =	vmul.f32 v4, v1  }
0xa7: {  	v4 =	vld [tilespmem:s23+$0x8220]  }
0xa8: {  	v2 =	vmul.f32 v7, v2;
	v5 =	vld [tilespmem:s23+$0x230];
	v0 =	vadd.f32 v1, v0  }
0xa9: {  	v1 =	vld [tilespmem:s23+$0x8230]  }
0xaa: {  	v0 =	vadd.f32 v2, v0;
	v2 =	vmul.f32 v3, v8;
	v7 =	vld [tilespmem:s23+$0x240]  }
0xab: {  	v8 =	vld [tilespmem:s23+$0x8240]  }
0xac: {  	v0 =	vadd.f32 v2, v0;
	v2 =	vmul.f32 v4, v6;
	v6 =	vld [tilespmem:s23+$0x250]  }
0xad: {  	v9 =	vld [tilespmem:s23+$0x8250]  }
.Ltmp2:
0xae: {  	v2 =	vadd.f32 v2, v0;
	v1 =	vmul.f32 v1, v5;
	v0 =	vld [tilespmem:s23+$0x260];
	(pc) =	sbr.rel @p0 .LBB2_6-.Ltmp2, $4  }
0xaf: {  	v3 =	vld [tilespmem:s23+$0x8260]  }
0xb0: {  	v5 =	vadd.f32 v1, v2;
	v7 =	vmul.f32 v8, v7;
	v1 =	vld [tilespmem:s23+$0x270]  }
0xb1: {  	v4 =	vld [tilespmem:s23+$0x8270];
	s23 =	sshra.s32 s24, $0x2  }
0xb2: {  	s24 =	sadd.s32 $0x200, s24;
	v2 =	vld [tilespmem:s23+$0x200];
	v5 =	vadd.f32 v7, v5;
	v6 =	vmul.f32 v9, v6  }
0xb3: {  	v7 =	vld [tilespmem:s23+$0x8200]  }
0xb4: {  	v8 =	vld [tilespmem:s23+$0x210]  }
0xb5: {  	v9 =	vld [tilespmem:s23+$0x8210]  }
0xb6: {  	v10 =	vld [tilespmem:s23+$0x220]  }
0xb7: {  	v11 =	vld [tilespmem:s23+$0x8220]  }
0xb8: {  	v12 =	vld [tilespmem:s23+$0x230]  }
0xb9: {  	v13 =	vld [tilespmem:s23+$0x8230];
	v5 =	vadd.f32 v6, v5;
	v0 =	vmul.f32 v3, v0  }
0xba: {  	v63 =	vld [tilespmem:s23+$0x8270]  }
0xbb: {  	v3 =	vld [tilespmem:s23+$0x240];
	v0 =	vadd.f32 v0, v5;
	v1 =	vmul.f32 v4, v1  }
0xbc: {  	v6 =	vld [tilespmem:s23+$0x8240]  }
0xbd: {  	v4 =	vld [tilespmem:s23+$0x250];
	v2 =	vmul.f32 v7, v2;
	v0 =	vadd.f32 v1, v0  }
0xbe: {  	v5 =	vld [tilespmem:s23+$0x8250]  }
0xbf: {  	v1 =	vld [tilespmem:s23+$0x260];
	v0 =	vadd.f32 v2, v0;
	v2 =	vmul.f32 v9, v8  }
0xc0: {  	v7 =	vld [tilespmem:s23+$0x8260]  }
0xc1: {  	v8 =	vld [tilespmem:s23+$0x270];
	_ =	swait.ge [sflag:s19], $0x4000;
	v0 =	vadd.f32 v2, v0;
	v2 =	vmul.f32 v11, v10  }
0xc2: {  	[sflag:s19] =	ssyncset.done $0x0  }
0xc3: {  	[sflag:s19] =	ssyncadd.s32 $0xFFFFC000;
	v0 =	vadd.f32 v2, v0;
	v2 =	vmul.f32 v13, v12  }
0xc4: {  	_ =	swait.ge [sflag:s19], $0x4000  }
0xc5: {  	[sflag:s19] =	ssyncset.done $0x0;
	v0 =	vadd.f32 v2, v0;
	v2 =	vmul.f32 v6, v3  }
0xc6: {  	s24 =	simm.s32 $0x0;
	[sflag:s19] =	ssyncadd.s32 $0xFFFFC000  }
0xc7: {  	v3 =	vld [tilespmem:s24+$0x4200];
	v0 =	vadd.f32 v2, v0;
	v2 =	vmul.f32 v5, v4  }
0xc8: {  	v4 =	vld [tilespmem:s24+$0xC200]  }
0xc9: {  	v1 =	vmul.f32 v7, v1;
	v5 =	vld [tilespmem:s24+$0xC210];
	v0 =	vadd.f32 v2, v0  }
0xca: {  	v2 =	vld [tilespmem:s24+$0x4210]  }
0xcb: {  	v6 =	vld [tilespmem:s24+$0x4220];
	v0 =	vadd.f32 v1, v0;
	v1 =	vmul.f32 v63, v8  }
0xcc: {  	v7 =	vld [tilespmem:s24+$0xC220]  }
0xcd: {  	v0 =	vadd.f32 v1, v0;
	v1 =	vmul.f32 v4, v3;
	v3 =	vld [tilespmem:s24+$0x4230]  }
0xce: {  	v4 =	vld [tilespmem:s24+$0xC230]  }
0xcf: {  	v0 =	vadd.f32 v1, v0;
	v1 =	vmul.f32 v5, v2;
	v2 =	vld [tilespmem:s24+$0x4240]  }
0xd0: {  	v5 =	vld [tilespmem:s24+$0xC240]  }
0xd1: {  	v0 =	vadd.f32 v1, v0;
	v1 =	vmul.f32 v7, v6;
	v6 =	vld [tilespmem:s24+$0x4250]  }
0xd2: {  	v7 =	vld [tilespmem:s24+$0xC250]  }
0xd3: {  	v4 =	vmul.f32 v4, v3;
	v3 =	vld [tilespmem:s24+$0xC260];
	v1 =	vadd.f32 v1, v0  }
0xd4: {  	v0 =	vld [tilespmem:s24+$0x4260]  }
0xd5: {  	v5 =	vmul.f32 v5, v2;
	v8 =	vadd.f32 v4, v1;
	v1 =	vld [tilespmem:s24+$0x4270]  }
0xd6: {  	s23 =	simm.s32 $0x80;
	v4 =	vld [tilespmem:s24+$0xC270]  }
0xd7: {  	v2 =	vld [tilespmem:s23+$0x4200];
	s24 =	simm.s32 $0x400;
	v6 =	vmul.f32 v7, v6;
	v5 =	vadd.f32 v5, v8  }
.LBB2_8:
0xd8: {  	p0 =	sne.s32 s24, $0xFE00;
	v7 =	vld [tilespmem:s23+$0xC200]  }
0xd9: {  	v8 =	vld [tilespmem:s23+$0x4210];
	v5 =	vadd.f32 v6, v5;
	v0 =	vmul.f32 v3, v0  }
0xda: {  	v3 =	vld [tilespmem:s23+$0xC210]  }
0xdb: {  	v6 =	vld [tilespmem:s23+$0x4220];
	v0 =	vadd.f32 v0, v5;
	v1 =	vmul.f32 v4, v1  }
0xdc: {  	v4 =	vld [tilespmem:s23+$0xC220]  }
0xdd: {  	v2 =	vmul.f32 v7, v2;
	v5 =	vld [tilespmem:s23+$0x4230];
	v0 =	vadd.f32 v1, v0  }
0xde: {  	v1 =	vld [tilespmem:s23+$0xC230]  }
0xdf: {  	v0 =	vadd.f32 v2, v0;
	v2 =	vmul.f32 v3, v8;
	v7 =	vld [tilespmem:s23+$0x4240]  }
0xe0: {  	v8 =	vld [tilespmem:s23+$0xC240]  }
0xe1: {  	v0 =	vadd.f32 v2, v0;
	v2 =	vmul.f32 v4, v6;
	v6 =	vld [tilespmem:s23+$0x4250]  }
0xe2: {  	v9 =	vld [tilespmem:s23+$0xC250]  }
.Ltmp3:
0xe3: {  	v2 =	vadd.f32 v2, v0;
	v1 =	vmul.f32 v1, v5;
	v0 =	vld [tilespmem:s23+$0x4260];
	(pc) =	sbr.rel @p0 .LBB2_8-.Ltmp3, $4  }
0xe4: {  	v3 =	vld [tilespmem:s23+$0xC260]  }
0xe5: {  	v5 =	vadd.f32 v1, v2;
	v7 =	vmul.f32 v8, v7;
	v1 =	vld [tilespmem:s23+$0x4270]  }
0xe6: {  	v4 =	vld [tilespmem:s23+$0xC270];
	s23 =	sshra.s32 s24, $0x2  }
0xe7: {  	s24 =	sadd.s32 $0x200, s24;
	v2 =	vld [tilespmem:s23+$0x4200];
	v5 =	vadd.f32 v7, v5;
	v6 =	vmul.f32 v9, v6  }
0xe8: {  	v7 =	vld [tilespmem:s23+$0xC200]  }
0xe9: {  	v8 =	vld [tilespmem:s23+$0x4210];
	v5 =	vadd.f32 v6, v5;
	v0 =	vmul.f32 v3, v0  }
0xea: {  	v45 =	vld [tilespmem:s23+$0xC210]  }
0xeb: {  	v46 =	vld [tilespmem:s23+$0x4220];
	v0 =	vadd.f32 v0, v5;
	v1 =	vmul.f32 v4, v1  }
0xec: {  	v47 =	vld [tilespmem:s23+$0xC220]  }
0xed: {  	v48 =	vld [tilespmem:s23+$0x4230];
	v2 =	vmul.f32 v7, v2;
	v0 =	vadd.f32 v1, v0  }
0xee: {  	v49 =	vld [tilespmem:s23+$0xC230]  }
0xef: {  	v51 =	vld [tilespmem:s23+$0x4240];
	v50 =	vmul.f32 v45, v8;
	v0 =	vadd.f32 v2, v0  }
0xf0: {  	v52 =	vld [tilespmem:s23+$0xC240]  }
0xf1: {  	v54 =	vld [tilespmem:s23+$0x4250];
	v53 =	vmul.f32 v47, v46;
	v0 =	vadd.f32 v50, v0  }
0xf2: {  	v55 =	vld [tilespmem:s23+$0xC250]  }
0xf3: {  	v56 =	vld [tilespmem:s23+$0x4260];
	v1 =	vmul.f32 v49, v48;
	v0 =	vadd.f32 v53, v0  }
0xf4: {  	v57 =	vld [tilespmem:s23+$0xC260]  }
0xf5: {  	v59 =	vld [tilespmem:s23+$0x4270];
	v58 =	vmul.f32 v52, v51;
	v0 =	vadd.f32 v1, v0  }
0xf6: {  	v60 =	vld [tilespmem:s23+$0xC270]  }
0xf7: {  	v61 =	vmul.f32 v55, v54;
	v0 =	vadd.f32 v58, v0;
	_ =	sdelay $0x1  }
0xf8: {  	v62 =	vmul.f32 v57, v56;
	v0 =	vadd.f32 v61, v0;
	_ =	sdelay $0x1  }
0xf9: {  	v63 =	vmul.f32 v60, v59;
	v0 =	vadd.f32 v62, v0;
	_ =	sdelay $0x1  }
0xfa: {  	s22 =	sadd.s32 $0x1, s22;
	v0 =	vadd.f32 v63, v0  }
0xfb: {  	p0 =	sne.s32 s22, s10  }
.Ltmp4:
0xfc: {  	[tilespmem:$0x10200] =	vst v0;
	(pc) =	sbr.rel @p0 .LBB2_1-.Ltmp4, $4  }
0xfd: {  	[hbm4b:s9+s3] =	stream.linear.scatter [tilespmem:s21], [sflag:$0x3], $0x80, $0x38;
	[tilespmem:$0x10280] =	vst v63  }
0xfe: {  	_ =	swait.ge [sflag:s11], $0x80  }
0xff: {  	[sflag:s11] =	ssyncset.done $0x0  }
0x100: {  	[sflag:s11] =	ssyncadd.s32 $0xFFFFFF80  }
0x101: {  	_ =	sfence.sel $0x180000  }
0x102: {  	[bflag:$0x0] =	sbarrier.arrive $0xFFFF  }
0x103: {  	p0 =	sne.s32 s2, $0x0;
	_ =	strace $0x90000047  }
0x104: {  	s0 =	sadd.s32 @!p0 $0x100000, s0;
	[bflag:$0x2] =	sbarrier.arrive $0xFFFF  }
0x105: {  	[sflag:s0] =	ssyncadd.tile.s32 @!p0 $0x1;
	_ =	shalt  }
.Lfunc_end2:
_tile_overlayer_lowered:
.L_overlay_start_2:
0x106: {  	(tag) =	ssettag $0x2  }
0x107: {  	s0 =	rddreg [dreg:$0x0];
	s2 =	stileid.u32  }
0x108: {  	s1 =	rddreg [dreg:$0x1];
	p0 =	sne.s32 s2, $0x0  }
0x109: {  	s3 =	rddreg [dreg:$0x2];
	[bflag:$0x3] =	sbarrier.arrive $0xFFFF;
	s2 =	simm.s32 @!p0 $0x1C03  }
0x10a: {  	[timem:s3], [sflag:s2] =	dma.local @!p0 [hbm:s0], s1  }
0x10b: {  	s0 =	simm.s32 @!p0 $0x3  }
0x10c: {  	_ =	swait.ge @!p0 [sflag:s0], s1  }
0x10d: {  	s1 =	ssub.s32 @!p0 $0x0, s1;
	[sflag:s0] =	ssyncset.done @!p0 $0x0  }
0x10e: {  	[sflag:s0] =	ssyncadd.s32 @!p0 s1  }
0x10f: {  	[bflag:$0x3] =	sbarrier.arrive $0xFFFF  }
0x110: {  	_ =	shalt  }

</sc_bundles>
